<compile_context>
chip_gen: v7x
topology: tpu7x:2x2x1
jax: 0.10.2.dev20260603
libtpu: 0.0.44.dev20260713+nightly
codegen_flags: <defaults>
</compile_context>

<pallas_src>
import functools

import jax
import jax.numpy as jnp
from jax import lax
from jax.experimental import pallas as pl
from jax.experimental.pallas import tpu as pltpu
from jax.experimental.pallas import tpu_sc as plsc

N = 1024 * 200
NC, NS = 2, 16
NW = NC * NS
RW = N // NW
SEL = (3, 1, 2)
GROUPS = RW // 16


def _build():
    mesh = plsc.VectorSubcoreMesh(core_axis_name="c", subcore_axis_name="s")

    @functools.partial(
        pl.kernel,
        mesh=mesh,
        out_type=jax.ShapeDtypeStruct((3 * N,), jnp.float32),
        scratch_types=[
            pltpu.VMEM((RW,), jnp.int32),
            pltpu.VMEM((RW,), jnp.int32),
            pltpu.VMEM((RW,), jnp.int32),
            pltpu.VMEM((RW,), jnp.float32),
            pltpu.VMEM((RW,), jnp.float32),
            pltpu.VMEM((RW,), jnp.float32),
            pltpu.VMEM((RW,), jnp.float32),
            pltpu.VMEM((RW,), jnp.float32),
            pltpu.VMEM((RW,), jnp.float32),
            pltpu.VMEM((RW,), jnp.float32),
            pltpu.VMEM((RW,), jnp.float32),
            pltpu.VMEM((RW,), jnp.float32),
            pltpu.SemaphoreType.DMA,
            pltpu.SemaphoreType.DMA,
            pltpu.SemaphoreType.DMA,
            pltpu.SemaphoreType.DMA,
            pltpu.SemaphoreType.DMA,
            pltpu.SemaphoreType.DMA,
            pltpu.SemaphoreType.DMA,
        ],
    )
    def run(x_hbm, yt_hbm, out_hbm,
            ix0, ix1, ix2, xc0, xc1, xc2, yc0, yc1, yc2, oc0, oc1, oc2,
            sx0, sx1, sx2, sy0, sy1, sy2, so):
        wid = lax.axis_index("s") * NC + lax.axis_index("c")
        row0 = wid * RW
        ixs = (ix0, ix1, ix2)
        xcs = (xc0, xc1, xc2)
        ycs = (yc0, yc1, yc2)
        ocs = (oc0, oc1, oc2)
        sxs = (sx0, sx1, sx2)
        sys_ = (sy0, sy1, sy2)

        iota = lax.iota(jnp.int32, 16)
        step = lax.mul(iota, jnp.full((16,), 25600, dtype=jnp.int32))

        ycopies = []
        for j in range(3):
            cy = pltpu.make_async_copy(
                yt_hbm.at[pl.ds(j * N + row0, RW)], ycs[j], sys_[j])
            cy.start()
            ycopies.append(cy)

        def idx_body(g4, carry):
            for u in range(2):
                g = g4 * 2 + u
                o = row0 + g * 16
                rb = o // 8192
                cb = (o // 1024) % 8
                r8 = (o // 128) % 8
                cl0 = o % 128
                base = 25600 * (cb * 128 + cl0) + 128 * (rb * 8 + r8)
                bv = jnp.full((16,), base, dtype=jnp.int32)
                iv = lax.add(bv, step)
                for j in range(3):
                    ixs[j][pl.ds(g * 16, 16)] = lax.add(
                        iv, jnp.full((16,), SEL[j], dtype=jnp.int32))
            return carry

        lax.fori_loop(0, GROUPS // 2, idx_body, 0)

        gathers = []
        ocopies = []
        for j in range(3):
            cg = pltpu.make_async_copy(x_hbm.at[ixs[j]], xcs[j], sxs[j])
            cg.start()
            gathers.append(cg)

        for j in range(3):
            gathers[j].wait()
            ycopies[j].wait()

            def add_body(k4, carry, _j=j):
                for u in range(4):
                    k = k4 * 4 + u
                    ocs[_j][pl.ds(k * 16, 16)] = (
                        xcs[_j][pl.ds(k * 16, 16)]
                        + ycs[_j][pl.ds(k * 16, 16)])
                return carry

            lax.fori_loop(0, GROUPS // 4, add_body, 0)
            co = pltpu.make_async_copy(
                ocs[j], out_hbm.at[pl.ds(j * N + row0, RW)], so)
            co.start()
            ocopies.append(co)
        for co in ocopies:
            co.wait()

    return run


_RUN = _build()


@jax.jit
def kernel(x, y):
    xr = x.reshape(N * 128)
    yp = (y.transpose(2, 1, 0).reshape(3, 25, 8, 8, 128)
          .transpose(0, 1, 3, 2, 4).reshape(3 * N))
    out_p = _RUN(xr, yp)
    return (out_p.reshape(3, 25, 8, 8, 128).transpose(0, 1, 3, 2, 4)
            .reshape(3, 200, 1024).transpose(2, 1, 0))

# --- scband reference (transcript-rebuilt; emitter-appended) ---
"""Pipeline reference for scband-simple-index-select-with-const-index-89721866813588 (READ-ONLY COPY).

The authoritative reference and input builder live on the scoring server;
editing this copy changes nothing except your own understanding.
"""

import jax, jax.numpy as jnp
import numpy as np


def setup_inputs(seed: int = 0) -> dict:
    key = jax.random.key(seed)
    kx, ky = jax.random.split(key)
    x = jax.random.normal(kx, (1024, 200, 128), dtype=jnp.float32)
    y = jax.random.normal(ky, (1024, 200, 3), dtype=jnp.float32)
    return {"x": x, "y": y}


def reference(x, y):
    idx = jnp.array([3, 1, 2], dtype=jnp.int32)
    result = jnp.take(x, idx, axis=2) + y
    return result

if __name__ == "__main__":
    import jax
    _d = setup_inputs()
    print(jax.jit(kernel)(*tuple(_d.values())))

</pallas_src>

<mosaic_0001>
#map = affine_map<(d0, d1) -> (0)>
module attributes {stable_mosaic.version = 14 : i64} {
  func.func @run(%arg0: i32, %arg1: i32, %arg2: memref<26214400xf32, #tpu.memory_space<hbm>>, %arg3: memref<614400xf32, #tpu.memory_space<hbm>>, %arg4: memref<614400xf32, #tpu.memory_space<hbm>>, %arg5: memref<6400xi32, #tpu.memory_space<vmem>>, %arg6: memref<6400xi32, #tpu.memory_space<vmem>>, %arg7: memref<6400xi32, #tpu.memory_space<vmem>>, %arg8: memref<6400xf32, #tpu.memory_space<vmem>>, %arg9: memref<6400xf32, #tpu.memory_space<vmem>>, %arg10: memref<6400xf32, #tpu.memory_space<vmem>>, %arg11: memref<6400xf32, #tpu.memory_space<vmem>>, %arg12: memref<6400xf32, #tpu.memory_space<vmem>>, %arg13: memref<6400xf32, #tpu.memory_space<vmem>>, %arg14: memref<6400xf32, #tpu.memory_space<vmem>>, %arg15: memref<6400xf32, #tpu.memory_space<vmem>>, %arg16: memref<6400xf32, #tpu.memory_space<vmem>>, %arg17: memref<!tpu.dma_semaphore, #tpu.memory_space<semaphore_mem>>, %arg18: memref<!tpu.dma_semaphore, #tpu.memory_space<semaphore_mem>>, %arg19: memref<!tpu.dma_semaphore, #tpu.memory_space<semaphore_mem>>, %arg20: memref<!tpu.dma_semaphore, #tpu.memory_space<semaphore_mem>>, %arg21: memref<!tpu.dma_semaphore, #tpu.memory_space<semaphore_mem>>, %arg22: memref<!tpu.dma_semaphore, #tpu.memory_space<semaphore_mem>>, %arg23: memref<!tpu.dma_semaphore, #tpu.memory_space<semaphore_mem>>) attributes {dimension_semantics = [#tpu.dimension_semantics<core_parallel>, #tpu.dimension_semantics<subcore_parallel>], iteration_bounds = array<i64: 2, 16>, scalar_prefetch = 0 : i64, scratch_operands = 19 : i64, tpu.core_type = #tpu.core_type<sc_vector_subcore>, window_params = [{transform_indices = #map}, {transform_indices = #map}, {transform_indices = #map}]} {
    %mul3A = arith.constant 2 : i32
    %mul3A_0 = arith.muli %arg1, %mul3A : i32
    %add3A = arith.addi %mul3A_0, %arg0 : i32
    %mul3A_1 = arith.constant 6400 : i32
    %mul3A_2 = arith.muli %add3A, %mul3A_1 : i32
    %iota3A = tpu.iota {dimensions = array<i32: 0>} : vector<16xi32>
    %broadcast_in_dim3A = arith.constant 25600 : i32
    %broadcast_in_dim3A_3 = vector.broadcast %broadcast_in_dim3A : i32 to vector<16xi32>
    %mul3A_4 = arith.muli %iota3A, %broadcast_in_dim3A_3 : vector<16xi32>
    %add3A_5 = arith.constant 0 : i32
    %add3A_6 = arith.addi %add3A_5, %mul3A_2 : i32
    %dma_start3A = tpu.memref_slice %arg3[%add3A_6] : memref<614400xf32, #tpu.memory_space<hbm>> -> memref<6400xf32, #tpu.memory_space<hbm>>
    %dma_start3A_7 = tpu.memref_slice %arg3[%add3A_6] : memref<614400xf32, #tpu.memory_space<hbm>> -> memref<6400xf32, #tpu.memory_space<hbm>>
    tpu.enqueue_dma source(%dma_start3A_7 : memref<6400xf32, #tpu.memory_space<hbm>>) target(%arg11 : memref<6400xf32, #tpu.memory_space<vmem>>) target_semaphore(%arg20 : memref<!tpu.dma_semaphore, #tpu.memory_space<semaphore_mem>>)
    %add3A_8 = arith.constant 204800 : i32
    %add3A_9 = arith.addi %add3A_8, %mul3A_2 : i32
    %dma_start3A_10 = tpu.memref_slice %arg3[%add3A_9] : memref<614400xf32, #tpu.memory_space<hbm>> -> memref<6400xf32, #tpu.memory_space<hbm>>
    %dma_start3A_11 = tpu.memref_slice %arg3[%add3A_9] : memref<614400xf32, #tpu.memory_space<hbm>> -> memref<6400xf32, #tpu.memory_space<hbm>>
    tpu.enqueue_dma source(%dma_start3A_11 : memref<6400xf32, #tpu.memory_space<hbm>>) target(%arg12 : memref<6400xf32, #tpu.memory_space<vmem>>) target_semaphore(%arg21 : memref<!tpu.dma_semaphore, #tpu.memory_space<semaphore_mem>>)
    %add3A_12 = arith.constant 409600 : i32
    %add3A_13 = arith.addi %add3A_12, %mul3A_2 : i32
    %dma_start3A_14 = tpu.memref_slice %arg3[%add3A_13] : memref<614400xf32, #tpu.memory_space<hbm>> -> memref<6400xf32, #tpu.memory_space<hbm>>
    %dma_start3A_15 = tpu.memref_slice %arg3[%add3A_13] : memref<614400xf32, #tpu.memory_space<hbm>> -> memref<6400xf32, #tpu.memory_space<hbm>>
    tpu.enqueue_dma source(%dma_start3A_15 : memref<6400xf32, #tpu.memory_space<hbm>>) target(%arg13 : memref<6400xf32, #tpu.memory_space<vmem>>) target_semaphore(%arg22 : memref<!tpu.dma_semaphore, #tpu.memory_space<semaphore_mem>>)
    %scan3A = arith.constant 0 : i32
    %scan3A_16 = arith.constant 0 : i32
    %scan3A_17 = arith.constant 200 : i32
    %scan3A_18 = arith.addi %scan3A_16, %scan3A_17 : i32
    %scan3A_19 = arith.constant 1 : i32
    scf.for %scan3A_74 = %scan3A_16 to %scan3A_18 step %scan3A_19  : i32 {
      %mul3A_75 = arith.constant 2 : i32
      %mul3A_76 = arith.muli %scan3A_74, %mul3A_75 : i32
      %add3A_77 = arith.constant 0 : i32
      %add3A_78 = arith.addi %mul3A_76, %add3A_77 : i32
      %mul3A_79 = arith.constant 16 : i32
      %mul3A_80 = arith.muli %add3A_78, %mul3A_79 : i32
      %add3A_81 = arith.addi %mul3A_2, %mul3A_80 : i32
      %jit3A = arith.constant 8192 : i32
      %div3A = arith.divsi %add3A_81, %jit3A : i32
      %sign3A = arith.constant 0 : i32
      %sign3A_82 = arith.cmpi sgt, %add3A_81, %sign3A : i32
      %sign3A_83 = arith.extui %sign3A_82 : i1 to i32
      %sign3A_84 = arith.constant 0 : i32
      %sign3A_85 = arith.cmpi slt, %add3A_81, %sign3A_84 : i32
      %sign3A_86 = arith.extui %sign3A_85 : i1 to i32
      %sign3A_87 = arith.subi %sign3A_83, %sign3A_86 : i32
      %sign3A_88 = arith.constant 0 : i32
      %sign3A_89 = arith.cmpi sgt, %jit3A, %sign3A_88 : i32
      %sign3A_90 = arith.extui %sign3A_89 : i1 to i32
      %sign3A_91 = arith.constant 0 : i32
      %sign3A_92 = arith.cmpi slt, %jit3A, %sign3A_91 : i32
      %sign3A_93 = arith.extui %sign3A_92 : i1 to i32
      %sign3A_94 = arith.subi %sign3A_90, %sign3A_93 : i32
      %ne3A = arith.cmpi ne, %sign3A_87, %sign3A_94 : i32
      %rem3A = arith.remsi %add3A_81, %jit3A : i32
      %ne3A_95 = arith.constant 0 : i32
      %ne3A_96 = arith.cmpi ne, %rem3A, %ne3A_95 : i32
      %and3A = arith.andi %ne3A, %ne3A_96 : i1
      %sub3A = arith.constant 1 : i32
      %sub3A_97 = arith.subi %div3A, %sub3A : i32
      %select_n3A = arith.select %and3A, %sub3A_97, %div3A : i32
      %jit3A_98 = arith.constant 1024 : i32
      %div3A_99 = arith.divsi %add3A_81, %jit3A_98 : i32
      %sign3A_100 = arith.constant 0 : i32
      %sign3A_101 = arith.cmpi sgt, %add3A_81, %sign3A_100 : i32
      %sign3A_102 = arith.extui %sign3A_101 : i1 to i32
      %sign3A_103 = arith.constant 0 : i32
      %sign3A_104 = arith.cmpi slt, %add3A_81, %sign3A_103 : i32
      %sign3A_105 = arith.extui %sign3A_104 : i1 to i32
      %sign3A_106 = arith.subi %sign3A_102, %sign3A_105 : i32
      %sign3A_107 = arith.constant 0 : i32
      %sign3A_108 = arith.cmpi sgt, %jit3A_98, %sign3A_107 : i32
      %sign3A_109 = arith.extui %sign3A_108 : i1 to i32
      %sign3A_110 = arith.constant 0 : i32
      %sign3A_111 = arith.cmpi slt, %jit3A_98, %sign3A_110 : i32
      %sign3A_112 = arith.extui %sign3A_111 : i1 to i32
      %sign3A_113 = arith.subi %sign3A_109, %sign3A_112 : i32
      %ne3A_114 = arith.cmpi ne, %sign3A_106, %sign3A_113 : i32
      %rem3A_115 = arith.remsi %add3A_81, %jit3A_98 : i32
      %ne3A_116 = arith.constant 0 : i32
      %ne3A_117 = arith.cmpi ne, %rem3A_115, %ne3A_116 : i32
      %and3A_118 = arith.andi %ne3A_114, %ne3A_117 : i1
      %sub3A_119 = arith.constant 1 : i32
      %sub3A_120 = arith.subi %div3A_99, %sub3A_119 : i32
      %select_n3A_121 = arith.select %and3A_118, %sub3A_120, %div3A_99 : i32
      %jit3A_122 = arith.constant 8 : i32
      %eq3A = arith.constant 0 : i32
      %eq3A_123 = arith.cmpi eq, %jit3A_122, %eq3A : i32
      %jit3A_124 = arith.constant 1 : i32
      %select_n3A_125 = arith.select %eq3A_123, %jit3A_124, %jit3A_122 : i32
      %rem3A_126 = arith.remsi %select_n3A_121, %select_n3A_125 : i32
      %ne3A_127 = arith.constant 0 : i32
      %ne3A_128 = arith.cmpi ne, %rem3A_126, %ne3A_127 : i32
      %lt3A = arith.constant 0 : i32
      %lt3A_129 = arith.cmpi slt, %rem3A_126, %lt3A : i32
      %lt3A_130 = arith.constant 0 : i32
      %lt3A_131 = arith.cmpi slt, %select_n3A_125, %lt3A_130 : i32
      %ne3A_132 = arith.xori %lt3A_129, %lt3A_131 : i1
      %and3A_133 = arith.andi %ne3A_132, %ne3A_128 : i1
      %add3A_134 = arith.addi %rem3A_126, %select_n3A_125 : i32
      %select_n3A_135 = arith.select %and3A_133, %add3A_134, %rem3A_126 : i32
      %jit3A_136 = arith.constant 128 : i32
      %div3A_137 = arith.divsi %add3A_81, %jit3A_136 : i32
      %sign3A_138 = arith.constant 0 : i32
      %sign3A_139 = arith.cmpi sgt, %add3A_81, %sign3A_138 : i32
      %sign3A_140 = arith.extui %sign3A_139 : i1 to i32
      %sign3A_141 = arith.constant 0 : i32
      %sign3A_142 = arith.cmpi slt, %add3A_81, %sign3A_141 : i32
      %sign3A_143 = arith.extui %sign3A_142 : i1 to i32
      %sign3A_144 = arith.subi %sign3A_140, %sign3A_143 : i32
      %sign3A_145 = arith.constant 0 : i32
      %sign3A_146 = arith.cmpi sgt, %jit3A_136, %sign3A_145 : i32
      %sign3A_147 = arith.extui %sign3A_146 : i1 to i32
      %sign3A_148 = arith.constant 0 : i32
      %sign3A_149 = arith.cmpi slt, %jit3A_136, %sign3A_148 : i32
      %sign3A_150 = arith.extui %sign3A_149 : i1 to i32
      %sign3A_151 = arith.subi %sign3A_147, %sign3A_150 : i32
      %ne3A_152 = arith.cmpi ne, %sign3A_144, %sign3A_151 : i32
      %rem3A_153 = arith.remsi %add3A_81, %jit3A_136 : i32
      %ne3A_154 = arith.constant 0 : i32
      %ne3A_155 = arith.cmpi ne, %rem3A_153, %ne3A_154 : i32
      %and3A_156 = arith.andi %ne3A_152, %ne3A_155 : i1
      %sub3A_157 = arith.constant 1 : i32
      %sub3A_158 = arith.subi %div3A_137, %sub3A_157 : i32
      %select_n3A_159 = arith.select %and3A_156, %sub3A_158, %div3A_137 : i32
      %jit3A_160 = arith.constant 8 : i32
      %eq3A_161 = arith.constant 0 : i32
      %eq3A_162 = arith.cmpi eq, %jit3A_160, %eq3A_161 : i32
      %jit3A_163 = arith.constant 1 : i32
      %select_n3A_164 = arith.select %eq3A_162, %jit3A_163, %jit3A_160 : i32
      %rem3A_165 = arith.remsi %select_n3A_159, %select_n3A_164 : i32
      %ne3A_166 = arith.constant 0 : i32
      %ne3A_167 = arith.cmpi ne, %rem3A_165, %ne3A_166 : i32
      %lt3A_168 = arith.constant 0 : i32
      %lt3A_169 = arith.cmpi slt, %rem3A_165, %lt3A_168 : i32
      %lt3A_170 = arith.constant 0 : i32
      %lt3A_171 = arith.cmpi slt, %select_n3A_164, %lt3A_170 : i32
      %ne3A_172 = arith.xori %lt3A_169, %lt3A_171 : i1
      %and3A_173 = arith.andi %ne3A_172, %ne3A_167 : i1
      %add3A_174 = arith.addi %rem3A_165, %select_n3A_164 : i32
      %select_n3A_175 = arith.select %and3A_173, %add3A_174, %rem3A_165 : i32
      %jit3A_176 = arith.constant 128 : i32
      %eq3A_177 = arith.constant 0 : i32
      %eq3A_178 = arith.cmpi eq, %jit3A_176, %eq3A_177 : i32
      %jit3A_179 = arith.constant 1 : i32
      %select_n3A_180 = arith.select %eq3A_178, %jit3A_179, %jit3A_176 : i32
      %rem3A_181 = arith.remsi %add3A_81, %select_n3A_180 : i32
      %ne3A_182 = arith.constant 0 : i32
      %ne3A_183 = arith.cmpi ne, %rem3A_181, %ne3A_182 : i32
      %lt3A_184 = arith.constant 0 : i32
      %lt3A_185 = arith.cmpi slt, %rem3A_181, %lt3A_184 : i32
      %lt3A_186 = arith.constant 0 : i32
      %lt3A_187 = arith.cmpi slt, %select_n3A_180, %lt3A_186 : i32
      %ne3A_188 = arith.xori %lt3A_185, %lt3A_187 : i1
      %and3A_189 = arith.andi %ne3A_188, %ne3A_183 : i1
      %add3A_190 = arith.addi %rem3A_181, %select_n3A_180 : i32
      %select_n3A_191 = arith.select %and3A_189, %add3A_190, %rem3A_181 : i32
      %mul3A_192 = arith.constant 128 : i32
      %mul3A_193 = arith.muli %select_n3A_135, %mul3A_192 : i32
      %add3A_194 = arith.addi %mul3A_193, %select_n3A_191 : i32
      %mul3A_195 = arith.constant 25600 : i32
      %mul3A_196 = arith.muli %mul3A_195, %add3A_194 : i32
      %mul3A_197 = arith.constant 8 : i32
      %mul3A_198 = arith.muli %select_n3A, %mul3A_197 : i32
      %add3A_199 = arith.addi %mul3A_198, %select_n3A_175 : i32
      %mul3A_200 = arith.constant 128 : i32
      %mul3A_201 = arith.muli %mul3A_200, %add3A_199 : i32
      %add3A_202 = arith.addi %mul3A_196, %mul3A_201 : i32
      %broadcast_in_dim3A_203 = vector.broadcast %add3A_202 : i32 to vector<16xi32>
      %add3A_204 = arith.addi %broadcast_in_dim3A_203, %mul3A_4 : vector<16xi32>
      %broadcast_in_dim3A_205 = arith.constant 3 : i32
      %broadcast_in_dim3A_206 = vector.broadcast %broadcast_in_dim3A_205 : i32 to vector<16xi32>
      %add3A_207 = arith.addi %add3A_204, %broadcast_in_dim3A_206 : vector<16xi32>
      %mul3A_208 = arith.constant 16 : i32
      %mul3A_209 = arith.muli %add3A_78, %mul3A_208 : i32
      %swap3A = arith.index_cast %mul3A_209 : i32 to index
      %swap3A_210 = tpu.vector_load %arg5[%swap3A] {strides = array<i32>} : memref<6400xi32, #tpu.memory_space<vmem>>, vector<16xi32>,
      %swap3A_211 = vector.shape_cast %swap3A_210 : vector<16xi32> to vector<16xi32>
      %swap3A_212 = vector.shape_cast %add3A_207 : vector<16xi32> to vector<16xi32>
      tpu.vector_store %arg5[%swap3A], %swap3A_212 {strides = array<i32>} : memref<6400xi32, #tpu.memory_space<vmem>>, vector<16xi32>,
      %broadcast_in_dim3A_213 = arith.constant 1 : i32
      %broadcast_in_dim3A_214 = vector.broadcast %broadcast_in_dim3A_213 : i32 to vector<16xi32>
      %add3A_215 = arith.addi %add3A_204, %broadcast_in_dim3A_214 : vector<16xi32>
      %mul3A_216 = arith.constant 16 : i32
      %mul3A_217 = arith.muli %add3A_78, %mul3A_216 : i32
      %swap3A_218 = arith.index_cast %mul3A_217 : i32 to index
      %swap3A_219 = tpu.vector_load %arg6[%swap3A_218] {strides = array<i32>} : memref<6400xi32, #tpu.memory_space<vmem>>, vector<16xi32>,
      %swap3A_220 = vector.shape_cast %swap3A_219 : vector<16xi32> to vector<16xi32>
      %swap3A_221 = vector.shape_cast %add3A_215 : vector<16xi32> to vector<16xi32>
      tpu.vector_store %arg6[%swap3A_218], %swap3A_221 {strides = array<i32>} : memref<6400xi32, #tpu.memory_space<vmem>>, vector<16xi32>,
      %broadcast_in_dim3A_222 = arith.constant 2 : i32
      %broadcast_in_dim3A_223 = vector.broadcast %broadcast_in_dim3A_222 : i32 to vector<16xi32>
      %add3A_224 = arith.addi %add3A_204, %broadcast_in_dim3A_223 : vector<16xi32>
      %mul3A_225 = arith.constant 16 : i32
      %mul3A_226 = arith.muli %add3A_78, %mul3A_225 : i32
      %swap3A_227 = arith.index_cast %mul3A_226 : i32 to index
      %swap3A_228 = tpu.vector_load %arg7[%swap3A_227] {strides = array<i32>} : memref<6400xi32, #tpu.memory_space<vmem>>, vector<16xi32>,
      %swap3A_229 = vector.shape_cast %swap3A_228 : vector<16xi32> to vector<16xi32>
      %swap3A_230 = vector.shape_cast %add3A_224 : vector<16xi32> to vector<16xi32>
      tpu.vector_store %arg7[%swap3A_227], %swap3A_230 {strides = array<i32>} : memref<6400xi32, #tpu.memory_space<vmem>>, vector<16xi32>,
      %mul3A_231 = arith.constant 2 : i32
      %mul3A_232 = arith.muli %scan3A_74, %mul3A_231 : i32
      %add3A_233 = arith.constant 1 : i32
      %add3A_234 = arith.addi %mul3A_232, %add3A_233 : i32
      %mul3A_235 = arith.constant 16 : i32
      %mul3A_236 = arith.muli %add3A_234, %mul3A_235 : i32
      %add3A_237 = arith.addi %mul3A_2, %mul3A_236 : i32
      %jit3A_238 = arith.constant 8192 : i32
      %div3A_239 = arith.divsi %add3A_237, %jit3A_238 : i32
      %sign3A_240 = arith.constant 0 : i32
      %sign3A_241 = arith.cmpi sgt, %add3A_237, %sign3A_240 : i32
      %sign3A_242 = arith.extui %sign3A_241 : i1 to i32
      %sign3A_243 = arith.constant 0 : i32
      %sign3A_244 = arith.cmpi slt, %add3A_237, %sign3A_243 : i32
      %sign3A_245 = arith.extui %sign3A_244 : i1 to i32
      %sign3A_246 = arith.subi %sign3A_242, %sign3A_245 : i32
      %sign3A_247 = arith.constant 0 : i32
      %sign3A_248 = arith.cmpi sgt, %jit3A_238, %sign3A_247 : i32
      %sign3A_249 = arith.extui %sign3A_248 : i1 to i32
      %sign3A_250 = arith.constant 0 : i32
      %sign3A_251 = arith.cmpi slt, %jit3A_238, %sign3A_250 : i32
      %sign3A_252 = arith.extui %sign3A_251 : i1 to i32
      %sign3A_253 = arith.subi %sign3A_249, %sign3A_252 : i32
      %ne3A_254 = arith.cmpi ne, %sign3A_246, %sign3A_253 : i32
      %rem3A_255 = arith.remsi %add3A_237, %jit3A_238 : i32
      %ne3A_256 = arith.constant 0 : i32
      %ne3A_257 = arith.cmpi ne, %rem3A_255, %ne3A_256 : i32
      %and3A_258 = arith.andi %ne3A_254, %ne3A_257 : i1
      %sub3A_259 = arith.constant 1 : i32
      %sub3A_260 = arith.subi %div3A_239, %sub3A_259 : i32
      %select_n3A_261 = arith.select %and3A_258, %sub3A_260, %div3A_239 : i32
      %jit3A_262 = arith.constant 1024 : i32
      %div3A_263 = arith.divsi %add3A_237, %jit3A_262 : i32
      %sign3A_264 = arith.constant 0 : i32
      %sign3A_265 = arith.cmpi sgt, %add3A_237, %sign3A_264 : i32
      %sign3A_266 = arith.extui %sign3A_265 : i1 to i32
      %sign3A_267 = arith.constant 0 : i32
      %sign3A_268 = arith.cmpi slt, %add3A_237, %sign3A_267 : i32
      %sign3A_269 = arith.extui %sign3A_268 : i1 to i32
      %sign3A_270 = arith.subi %sign3A_266, %sign3A_269 : i32
      %sign3A_271 = arith.constant 0 : i32
      %sign3A_272 = arith.cmpi sgt, %jit3A_262, %sign3A_271 : i32
      %sign3A_273 = arith.extui %sign3A_272 : i1 to i32
      %sign3A_274 = arith.constant 0 : i32
      %sign3A_275 = arith.cmpi slt, %jit3A_262, %sign3A_274 : i32
      %sign3A_276 = arith.extui %sign3A_275 : i1 to i32
      %sign3A_277 = arith.subi %sign3A_273, %sign3A_276 : i32
      %ne3A_278 = arith.cmpi ne, %sign3A_270, %sign3A_277 : i32
      %rem3A_279 = arith.remsi %add3A_237, %jit3A_262 : i32
      %ne3A_280 = arith.constant 0 : i32
      %ne3A_281 = arith.cmpi ne, %rem3A_279, %ne3A_280 : i32
      %and3A_282 = arith.andi %ne3A_278, %ne3A_281 : i1
      %sub3A_283 = arith.constant 1 : i32
      %sub3A_284 = arith.subi %div3A_263, %sub3A_283 : i32
      %select_n3A_285 = arith.select %and3A_282, %sub3A_284, %div3A_263 : i32
      %jit3A_286 = arith.constant 8 : i32
      %eq3A_287 = arith.constant 0 : i32
      %eq3A_288 = arith.cmpi eq, %jit3A_286, %eq3A_287 : i32
      %jit3A_289 = arith.constant 1 : i32
      %select_n3A_290 = arith.select %eq3A_288, %jit3A_289, %jit3A_286 : i32
      %rem3A_291 = arith.remsi %select_n3A_285, %select_n3A_290 : i32
      %ne3A_292 = arith.constant 0 : i32
      %ne3A_293 = arith.cmpi ne, %rem3A_291, %ne3A_292 : i32
      %lt3A_294 = arith.constant 0 : i32
      %lt3A_295 = arith.cmpi slt, %rem3A_291, %lt3A_294 : i32
      %lt3A_296 = arith.constant 0 : i32
      %lt3A_297 = arith.cmpi slt, %select_n3A_290, %lt3A_296 : i32
      %ne3A_298 = arith.xori %lt3A_295, %lt3A_297 : i1
      %and3A_299 = arith.andi %ne3A_298, %ne3A_293 : i1
      %add3A_300 = arith.addi %rem3A_291, %select_n3A_290 : i32
      %select_n3A_301 = arith.select %and3A_299, %add3A_300, %rem3A_291 : i32
      %jit3A_302 = arith.constant 128 : i32
      %div3A_303 = arith.divsi %add3A_237, %jit3A_302 : i32
      %sign3A_304 = arith.constant 0 : i32
      %sign3A_305 = arith.cmpi sgt, %add3A_237, %sign3A_304 : i32
      %sign3A_306 = arith.extui %sign3A_305 : i1 to i32
      %sign3A_307 = arith.constant 0 : i32
      %sign3A_308 = arith.cmpi slt, %add3A_237, %sign3A_307 : i32
      %sign3A_309 = arith.extui %sign3A_308 : i1 to i32
      %sign3A_310 = arith.subi %sign3A_306, %sign3A_309 : i32
      %sign3A_311 = arith.constant 0 : i32
      %sign3A_312 = arith.cmpi sgt, %jit3A_302, %sign3A_311 : i32
      %sign3A_313 = arith.extui %sign3A_312 : i1 to i32
      %sign3A_314 = arith.constant 0 : i32
      %sign3A_315 = arith.cmpi slt, %jit3A_302, %sign3A_314 : i32
      %sign3A_316 = arith.extui %sign3A_315 : i1 to i32
      %sign3A_317 = arith.subi %sign3A_313, %sign3A_316 : i32
      %ne3A_318 = arith.cmpi ne, %sign3A_310, %sign3A_317 : i32
      %rem3A_319 = arith.remsi %add3A_237, %jit3A_302 : i32
      %ne3A_320 = arith.constant 0 : i32
      %ne3A_321 = arith.cmpi ne, %rem3A_319, %ne3A_320 : i32
      %and3A_322 = arith.andi %ne3A_318, %ne3A_321 : i1
      %sub3A_323 = arith.constant 1 : i32
      %sub3A_324 = arith.subi %div3A_303, %sub3A_323 : i32
      %select_n3A_325 = arith.select %and3A_322, %sub3A_324, %div3A_303 : i32
      %jit3A_326 = arith.constant 8 : i32
      %eq3A_327 = arith.constant 0 : i32
      %eq3A_328 = arith.cmpi eq, %jit3A_326, %eq3A_327 : i32
      %jit3A_329 = arith.constant 1 : i32
      %select_n3A_330 = arith.select %eq3A_328, %jit3A_329, %jit3A_326 : i32
      %rem3A_331 = arith.remsi %select_n3A_325, %select_n3A_330 : i32
      %ne3A_332 = arith.constant 0 : i32
      %ne3A_333 = arith.cmpi ne, %rem3A_331, %ne3A_332 : i32
      %lt3A_334 = arith.constant 0 : i32
      %lt3A_335 = arith.cmpi slt, %rem3A_331, %lt3A_334 : i32
      %lt3A_336 = arith.constant 0 : i32
      %lt3A_337 = arith.cmpi slt, %select_n3A_330, %lt3A_336 : i32
      %ne3A_338 = arith.xori %lt3A_335, %lt3A_337 : i1
      %and3A_339 = arith.andi %ne3A_338, %ne3A_333 : i1
      %add3A_340 = arith.addi %rem3A_331, %select_n3A_330 : i32
      %select_n3A_341 = arith.select %and3A_339, %add3A_340, %rem3A_331 : i32
      %jit3A_342 = arith.constant 128 : i32
      %eq3A_343 = arith.constant 0 : i32
      %eq3A_344 = arith.cmpi eq, %jit3A_342, %eq3A_343 : i32
      %jit3A_345 = arith.constant 1 : i32
      %select_n3A_346 = arith.select %eq3A_344, %jit3A_345, %jit3A_342 : i32
      %rem3A_347 = arith.remsi %add3A_237, %select_n3A_346 : i32
      %ne3A_348 = arith.constant 0 : i32
      %ne3A_349 = arith.cmpi ne, %rem3A_347, %ne3A_348 : i32
      %lt3A_350 = arith.constant 0 : i32
      %lt3A_351 = arith.cmpi slt, %rem3A_347, %lt3A_350 : i32
      %lt3A_352 = arith.constant 0 : i32
      %lt3A_353 = arith.cmpi slt, %select_n3A_346, %lt3A_352 : i32
      %ne3A_354 = arith.xori %lt3A_351, %lt3A_353 : i1
      %and3A_355 = arith.andi %ne3A_354, %ne3A_349 : i1
      %add3A_356 = arith.addi %rem3A_347, %select_n3A_346 : i32
      %select_n3A_357 = arith.select %and3A_355, %add3A_356, %rem3A_347 : i32
      %mul3A_358 = arith.constant 128 : i32
      %mul3A_359 = arith.muli %select_n3A_301, %mul3A_358 : i32
      %add3A_360 = arith.addi %mul3A_359, %select_n3A_357 : i32
      %mul3A_361 = arith.constant 25600 : i32
      %mul3A_362 = arith.muli %mul3A_361, %add3A_360 : i32
      %mul3A_363 = arith.constant 8 : i32
      %mul3A_364 = arith.muli %select_n3A_261, %mul3A_363 : i32
      %add3A_365 = arith.addi %mul3A_364, %select_n3A_341 : i32
      %mul3A_366 = arith.constant 128 : i32
      %mul3A_367 = arith.muli %mul3A_366, %add3A_365 : i32
      %add3A_368 = arith.addi %mul3A_362, %mul3A_367 : i32
      %broadcast_in_dim3A_369 = vector.broadcast %add3A_368 : i32 to vector<16xi32>
      %add3A_370 = arith.addi %broadcast_in_dim3A_369, %mul3A_4 : vector<16xi32>
      %broadcast_in_dim3A_371 = arith.constant 3 : i32
      %broadcast_in_dim3A_372 = vector.broadcast %broadcast_in_dim3A_371 : i32 to vector<16xi32>
      %add3A_373 = arith.addi %add3A_370, %broadcast_in_dim3A_372 : vector<16xi32>
      %mul3A_374 = arith.constant 16 : i32
      %mul3A_375 = arith.muli %add3A_234, %mul3A_374 : i32
      %swap3A_376 = arith.index_cast %mul3A_375 : i32 to index
      %swap3A_377 = tpu.vector_load %arg5[%swap3A_376] {strides = array<i32>} : memref<6400xi32, #tpu.memory_space<vmem>>, vector<16xi32>,
      %swap3A_378 = vector.shape_cast %swap3A_377 : vector<16xi32> to vector<16xi32>
      %swap3A_379 = vector.shape_cast %add3A_373 : vector<16xi32> to vector<16xi32>
      tpu.vector_store %arg5[%swap3A_376], %swap3A_379 {strides = array<i32>} : memref<6400xi32, #tpu.memory_space<vmem>>, vector<16xi32>,
      %broadcast_in_dim3A_380 = arith.constant 1 : i32
      %broadcast_in_dim3A_381 = vector.broadcast %broadcast_in_dim3A_380 : i32 to vector<16xi32>
      %add3A_382 = arith.addi %add3A_370, %broadcast_in_dim3A_381 : vector<16xi32>
      %mul3A_383 = arith.constant 16 : i32
      %mul3A_384 = arith.muli %add3A_234, %mul3A_383 : i32
      %swap3A_385 = arith.index_cast %mul3A_384 : i32 to index
      %swap3A_386 = tpu.vector_load %arg6[%swap3A_385] {strides = array<i32>} : memref<6400xi32, #tpu.memory_space<vmem>>, vector<16xi32>,
      %swap3A_387 = vector.shape_cast %swap3A_386 : vector<16xi32> to vector<16xi32>
      %swap3A_388 = vector.shape_cast %add3A_382 : vector<16xi32> to vector<16xi32>
      tpu.vector_store %arg6[%swap3A_385], %swap3A_388 {strides = array<i32>} : memref<6400xi32, #tpu.memory_space<vmem>>, vector<16xi32>,
      %broadcast_in_dim3A_389 = arith.constant 2 : i32
      %broadcast_in_dim3A_390 = vector.broadcast %broadcast_in_dim3A_389 : i32 to vector<16xi32>
      %add3A_391 = arith.addi %add3A_370, %broadcast_in_dim3A_390 : vector<16xi32>
      %mul3A_392 = arith.constant 16 : i32
      %mul3A_393 = arith.muli %add3A_234, %mul3A_392 : i32
      %swap3A_394 = arith.index_cast %mul3A_393 : i32 to index
      %swap3A_395 = tpu.vector_load %arg7[%swap3A_394] {strides = array<i32>} : memref<6400xi32, #tpu.memory_space<vmem>>, vector<16xi32>,
      %swap3A_396 = vector.shape_cast %swap3A_395 : vector<16xi32> to vector<16xi32>
      %swap3A_397 = vector.shape_cast %add3A_391 : vector<16xi32> to vector<16xi32>
      tpu.vector_store %arg7[%swap3A_394], %swap3A_397 {strides = array<i32>} : memref<6400xi32, #tpu.memory_space<vmem>>, vector<16xi32>,
    }
    %scan3A_20 = arith.constant 200 : i32
    %dma_start3A_21 = arith.constant 0 : i32
    %dma_start3A_22 = tpu.memref_slice %arg2[%dma_start3A_21] : memref<26214400xf32, #tpu.memory_space<hbm>> -> memref<26214400xf32, #tpu.memory_space<hbm>>
    tpu.enqueue_indirect_dma source(%dma_start3A_22 : memref<26214400xf32, #tpu.memory_space<hbm>>) target(%arg8 : memref<6400xf32, #tpu.memory_space<vmem>>) offsets(%arg5 : memref<6400xi32, #tpu.memory_space<vmem>>) semaphore(%arg17 : memref<!tpu.dma_semaphore, #tpu.memory_space<semaphore_mem>>)
    %dma_start3A_23 = arith.constant 0 : i32
    %dma_start3A_24 = tpu.memref_slice %arg2[%dma_start3A_23] : memref<26214400xf32, #tpu.memory_space<hbm>> -> memref<26214400xf32, #tpu.memory_space<hbm>>
    tpu.enqueue_indirect_dma source(%dma_start3A_24 : memref<26214400xf32, #tpu.memory_space<hbm>>) target(%arg9 : memref<6400xf32, #tpu.memory_space<vmem>>) offsets(%arg6 : memref<6400xi32, #tpu.memory_space<vmem>>) semaphore(%arg18 : memref<!tpu.dma_semaphore, #tpu.memory_space<semaphore_mem>>)
    %dma_start3A_25 = arith.constant 0 : i32
    %dma_start3A_26 = tpu.memref_slice %arg2[%dma_start3A_25] : memref<26214400xf32, #tpu.memory_space<hbm>> -> memref<26214400xf32, #tpu.memory_space<hbm>>
    tpu.enqueue_indirect_dma source(%dma_start3A_26 : memref<26214400xf32, #tpu.memory_space<hbm>>) target(%arg10 : memref<6400xf32, #tpu.memory_space<vmem>>) offsets(%arg7 : memref<6400xi32, #tpu.memory_space<vmem>>) semaphore(%arg19 : memref<!tpu.dma_semaphore, #tpu.memory_space<semaphore_mem>>)
    %dma_wait3A = arith.constant 0 : i32
    %dma_wait3A_27 = tpu.memref_slice %arg2[%dma_wait3A] : memref<26214400xf32, #tpu.memory_space<hbm>> -> memref<26214400xf32, #tpu.memory_space<hbm>>
    tpu.wait_indirect_dma semaphore(%arg17 : memref<!tpu.dma_semaphore, #tpu.memory_space<semaphore_mem>>) src(%dma_wait3A_27 : memref<26214400xf32, #tpu.memory_space<hbm>>) dst(%arg8 : memref<6400xf32, #tpu.memory_space<vmem>>)
    %dma_wait3A_28 = tpu.memref_slice %arg3[%add3A_6] : memref<614400xf32, #tpu.memory_space<hbm>> -> memref<6400xf32, #tpu.memory_space<hbm>>
    %dma_wait3A_29 = tpu.memref_slice %arg3[%add3A_6] : memref<614400xf32, #tpu.memory_space<hbm>> -> memref<6400xf32, #tpu.memory_space<hbm>>
    tpu.wait_dma2 semaphore(%arg20 : memref<!tpu.dma_semaphore, #tpu.memory_space<semaphore_mem>>) src(%dma_wait3A_29 : memref<6400xf32, #tpu.memory_space<hbm>>) dst(%arg11 : memref<6400xf32, #tpu.memory_space<vmem>>)
    %scan3A_30 = arith.constant 0 : i32
    %scan3A_31 = arith.constant 0 : i32
    %scan3A_32 = arith.constant 100 : i32
    %scan3A_33 = arith.addi %scan3A_31, %scan3A_32 : i32
    %scan3A_34 = arith.constant 1 : i32
    scf.for %scan3A_74 = %scan3A_31 to %scan3A_33 step %scan3A_34  : i32 {
      %mul3A_75 = arith.constant 4 : i32
      %mul3A_76 = arith.muli %scan3A_74, %mul3A_75 : i32
      %add3A_77 = arith.constant 0 : i32
      %add3A_78 = arith.addi %mul3A_76, %add3A_77 : i32
      %mul3A_79 = arith.constant 16 : i32
      %mul3A_80 = arith.muli %add3A_78, %mul3A_79 : i32
      %get3A = arith.index_cast %mul3A_80 : i32 to index
      %get3A_81 = tpu.vector_load %arg8[%get3A] {strides = array<i32>} : memref<6400xf32, #tpu.memory_space<vmem>>, vector<16xf32>,
      %get3A_82 = vector.shape_cast %get3A_81 : vector<16xf32> to vector<16xf32>
      %mul3A_83 = arith.constant 16 : i32
      %mul3A_84 = arith.muli %add3A_78, %mul3A_83 : i32
      %get3A_85 = arith.index_cast %mul3A_84 : i32 to index
      %get3A_86 = tpu.vector_load %arg11[%get3A_85] {strides = array<i32>} : memref<6400xf32, #tpu.memory_space<vmem>>, vector<16xf32>,
      %get3A_87 = vector.shape_cast %get3A_86 : vector<16xf32> to vector<16xf32>
      %add3A_88 = arith.addf %get3A_82, %get3A_87 : vector<16xf32>
      %mul3A_89 = arith.constant 16 : i32
      %mul3A_90 = arith.muli %add3A_78, %mul3A_89 : i32
      %swap3A = arith.index_cast %mul3A_90 : i32 to index
      %swap3A_91 = tpu.vector_load %arg14[%swap3A] {strides = array<i32>} : memref<6400xf32, #tpu.memory_space<vmem>>, vector<16xf32>,
      %swap3A_92 = vector.shape_cast %swap3A_91 : vector<16xf32> to vector<16xf32>
      %swap3A_93 = vector.shape_cast %add3A_88 : vector<16xf32> to vector<16xf32>
      tpu.vector_store %arg14[%swap3A], %swap3A_93 {strides = array<i32>} : memref<6400xf32, #tpu.memory_space<vmem>>, vector<16xf32>,
      %mul3A_94 = arith.constant 4 : i32
      %mul3A_95 = arith.muli %scan3A_74, %mul3A_94 : i32
      %add3A_96 = arith.constant 1 : i32
      %add3A_97 = arith.addi %mul3A_95, %add3A_96 : i32
      %mul3A_98 = arith.constant 16 : i32
      %mul3A_99 = arith.muli %add3A_97, %mul3A_98 : i32
      %get3A_100 = arith.index_cast %mul3A_99 : i32 to index
      %get3A_101 = tpu.vector_load %arg8[%get3A_100] {strides = array<i32>} : memref<6400xf32, #tpu.memory_space<vmem>>, vector<16xf32>,
      %get3A_102 = vector.shape_cast %get3A_101 : vector<16xf32> to vector<16xf32>
      %mul3A_103 = arith.constant 16 : i32
      %mul3A_104 = arith.muli %add3A_97, %mul3A_103 : i32
      %get3A_105 = arith.index_cast %mul3A_104 : i32 to index
      %get3A_106 = tpu.vector_load %arg11[%get3A_105] {strides = array<i32>} : memref<6400xf32, #tpu.memory_space<vmem>>, vector<16xf32>,
      %get3A_107 = vector.shape_cast %get3A_106 : vector<16xf32> to vector<16xf32>
      %add3A_108 = arith.addf %get3A_102, %get3A_107 : vector<16xf32>
      %mul3A_109 = arith.constant 16 : i32
      %mul3A_110 = arith.muli %add3A_97, %mul3A_109 : i32
      %swap3A_111 = arith.index_cast %mul3A_110 : i32 to index
      %swap3A_112 = tpu.vector_load %arg14[%swap3A_111] {strides = array<i32>} : memref<6400xf32, #tpu.memory_space<vmem>>, vector<16xf32>,
      %swap3A_113 = vector.shape_cast %swap3A_112 : vector<16xf32> to vector<16xf32>
      %swap3A_114 = vector.shape_cast %add3A_108 : vector<16xf32> to vector<16xf32>
      tpu.vector_store %arg14[%swap3A_111], %swap3A_114 {strides = array<i32>} : memref<6400xf32, #tpu.memory_space<vmem>>, vector<16xf32>,
      %mul3A_115 = arith.constant 4 : i32
      %mul3A_116 = arith.muli %scan3A_74, %mul3A_115 : i32
      %add3A_117 = arith.constant 2 : i32
      %add3A_118 = arith.addi %mul3A_116, %add3A_117 : i32
      %mul3A_119 = arith.constant 16 : i32
      %mul3A_120 = arith.muli %add3A_118, %mul3A_119 : i32
      %get3A_121 = arith.index_cast %mul3A_120 : i32 to index
      %get3A_122 = tpu.vector_load %arg8[%get3A_121] {strides = array<i32>} : memref<6400xf32, #tpu.memory_space<vmem>>, vector<16xf32>,
      %get3A_123 = vector.shape_cast %get3A_122 : vector<16xf32> to vector<16xf32>
      %mul3A_124 = arith.constant 16 : i32
      %mul3A_125 = arith.muli %add3A_118, %mul3A_124 : i32
      %get3A_126 = arith.index_cast %mul3A_125 : i32 to index
      %get3A_127 = tpu.vector_load %arg11[%get3A_126] {strides = array<i32>} : memref<6400xf32, #tpu.memory_space<vmem>>, vector<16xf32>,
      %get3A_128 = vector.shape_cast %get3A_127 : vector<16xf32> to vector<16xf32>
      %add3A_129 = arith.addf %get3A_123, %get3A_128 : vector<16xf32>
      %mul3A_130 = arith.constant 16 : i32
      %mul3A_131 = arith.muli %add3A_118, %mul3A_130 : i32
      %swap3A_132 = arith.index_cast %mul3A_131 : i32 to index
      %swap3A_133 = tpu.vector_load %arg14[%swap3A_132] {strides = array<i32>} : memref<6400xf32, #tpu.memory_space<vmem>>, vector<16xf32>,
      %swap3A_134 = vector.shape_cast %swap3A_133 : vector<16xf32> to vector<16xf32>
      %swap3A_135 = vector.shape_cast %add3A_129 : vector<16xf32> to vector<16xf32>
      tpu.vector_store %arg14[%swap3A_132], %swap3A_135 {strides = array<i32>} : memref<6400xf32, #tpu.memory_space<vmem>>, vector<16xf32>,
      %mul3A_136 = arith.constant 4 : i32
      %mul3A_137 = arith.muli %scan3A_74, %mul3A_136 : i32
      %add3A_138 = arith.constant 3 : i32
      %add3A_139 = arith.addi %mul3A_137, %add3A_138 : i32
      %mul3A_140 = arith.constant 16 : i32
      %mul3A_141 = arith.muli %add3A_139, %mul3A_140 : i32
      %get3A_142 = arith.index_cast %mul3A_141 : i32 to index
      %get3A_143 = tpu.vector_load %arg8[%get3A_142] {strides = array<i32>} : memref<6400xf32, #tpu.memory_space<vmem>>, vector<16xf32>,
      %get3A_144 = vector.shape_cast %get3A_143 : vector<16xf32> to vector<16xf32>
      %mul3A_145 = arith.constant 16 : i32
      %mul3A_146 = arith.muli %add3A_139, %mul3A_145 : i32
      %get3A_147 = arith.index_cast %mul3A_146 : i32 to index
      %get3A_148 = tpu.vector_load %arg11[%get3A_147] {strides = array<i32>} : memref<6400xf32, #tpu.memory_space<vmem>>, vector<16xf32>,
      %get3A_149 = vector.shape_cast %get3A_148 : vector<16xf32> to vector<16xf32>
      %add3A_150 = arith.addf %get3A_144, %get3A_149 : vector<16xf32>
      %mul3A_151 = arith.constant 16 : i32
      %mul3A_152 = arith.muli %add3A_139, %mul3A_151 : i32
      %swap3A_153 = arith.index_cast %mul3A_152 : i32 to index
      %swap3A_154 = tpu.vector_load %arg14[%swap3A_153] {strides = array<i32>} : memref<6400xf32, #tpu.memory_space<vmem>>, vector<16xf32>,
      %swap3A_155 = vector.shape_cast %swap3A_154 : vector<16xf32> to vector<16xf32>
      %swap3A_156 = vector.shape_cast %add3A_150 : vector<16xf32> to vector<16xf32>
      tpu.vector_store %arg14[%swap3A_153], %swap3A_156 {strides = array<i32>} : memref<6400xf32, #tpu.memory_space<vmem>>, vector<16xf32>,
    }
    %scan3A_35 = arith.constant 100 : i32
    %add3A_36 = arith.constant 0 : i32
    %add3A_37 = arith.addi %add3A_36, %mul3A_2 : i32
    %dma_start3A_38 = tpu.memref_slice %arg4[%add3A_37] : memref<614400xf32, #tpu.memory_space<hbm>> -> memref<6400xf32, #tpu.memory_space<hbm>>
    %dma_start3A_39 = tpu.memref_slice %arg4[%add3A_37] : memref<614400xf32, #tpu.memory_space<hbm>> -> memref<6400xf32, #tpu.memory_space<hbm>>
    tpu.enqueue_dma source(%arg14 : memref<6400xf32, #tpu.memory_space<vmem>>) target(%dma_start3A_39 : memref<6400xf32, #tpu.memory_space<hbm>>) target_semaphore(%arg23 : memref<!tpu.dma_semaphore, #tpu.memory_space<semaphore_mem>>)
    %dma_wait3A_40 = arith.constant 0 : i32
    %dma_wait3A_41 = tpu.memref_slice %arg2[%dma_wait3A_40] : memref<26214400xf32, #tpu.memory_space<hbm>> -> memref<26214400xf32, #tpu.memory_space<hbm>>
    tpu.wait_indirect_dma semaphore(%arg18 : memref<!tpu.dma_semaphore, #tpu.memory_space<semaphore_mem>>) src(%dma_wait3A_41 : memref<26214400xf32, #tpu.memory_space<hbm>>) dst(%arg9 : memref<6400xf32, #tpu.memory_space<vmem>>)
    %dma_wait3A_42 = tpu.memref_slice %arg3[%add3A_9] : memref<614400xf32, #tpu.memory_space<hbm>> -> memref<6400xf32, #tpu.memory_space<hbm>>
    %dma_wait3A_43 = tpu.memref_slice %arg3[%add3A_9] : memref<614400xf32, #tpu.memory_space<hbm>> -> memref<6400xf32, #tpu.memory_space<hbm>>
    tpu.wait_dma2 semaphore(%arg21 : memref<!tpu.dma_semaphore, #tpu.memory_space<semaphore_mem>>) src(%dma_wait3A_43 : memref<6400xf32, #tpu.memory_space<hbm>>) dst(%arg12 : memref<6400xf32, #tpu.memory_space<vmem>>)
    %scan3A_44 = arith.constant 0 : i32
    %scan3A_45 = arith.constant 0 : i32
    %scan3A_46 = arith.constant 100 : i32
    %scan3A_47 = arith.addi %scan3A_45, %scan3A_46 : i32
    %scan3A_48 = arith.constant 1 : i32
    scf.for %scan3A_74 = %scan3A_45 to %scan3A_47 step %scan3A_48  : i32 {
      %mul3A_75 = arith.constant 4 : i32
      %mul3A_76 = arith.muli %scan3A_74, %mul3A_75 : i32
      %add3A_77 = arith.constant 0 : i32
      %add3A_78 = arith.addi %mul3A_76, %add3A_77 : i32
      %mul3A_79 = arith.constant 16 : i32
      %mul3A_80 = arith.muli %add3A_78, %mul3A_79 : i32
      %get3A = arith.index_cast %mul3A_80 : i32 to index
      %get3A_81 = tpu.vector_load %arg9[%get3A] {strides = array<i32>} : memref<6400xf32, #tpu.memory_space<vmem>>, vector<16xf32>,
      %get3A_82 = vector.shape_cast %get3A_81 : vector<16xf32> to vector<16xf32>
      %mul3A_83 = arith.constant 16 : i32
      %mul3A_84 = arith.muli %add3A_78, %mul3A_83 : i32
      %get3A_85 = arith.index_cast %mul3A_84 : i32 to index
      %get3A_86 = tpu.vector_load %arg12[%get3A_85] {strides = array<i32>} : memref<6400xf32, #tpu.memory_space<vmem>>, vector<16xf32>,
      %get3A_87 = vector.shape_cast %get3A_86 : vector<16xf32> to vector<16xf32>
      %add3A_88 = arith.addf %get3A_82, %get3A_87 : vector<16xf32>
      %mul3A_89 = arith.constant 16 : i32
      %mul3A_90 = arith.muli %add3A_78, %mul3A_89 : i32
      %swap3A = arith.index_cast %mul3A_90 : i32 to index
      %swap3A_91 = tpu.vector_load %arg15[%swap3A] {strides = array<i32>} : memref<6400xf32, #tpu.memory_space<vmem>>, vector<16xf32>,
      %swap3A_92 = vector.shape_cast %swap3A_91 : vector<16xf32> to vector<16xf32>
      %swap3A_93 = vector.shape_cast %add3A_88 : vector<16xf32> to vector<16xf32>
      tpu.vector_store %arg15[%swap3A], %swap3A_93 {strides = array<i32>} : memref<6400xf32, #tpu.memory_space<vmem>>, vector<16xf32>,
      %mul3A_94 = arith.constant 4 : i32
      %mul3A_95 = arith.muli %scan3A_74, %mul3A_94 : i32
      %add3A_96 = arith.constant 1 : i32
      %add3A_97 = arith.addi %mul3A_95, %add3A_96 : i32
      %mul3A_98 = arith.constant 16 : i32
      %mul3A_99 = arith.muli %add3A_97, %mul3A_98 : i32
      %get3A_100 = arith.index_cast %mul3A_99 : i32 to index
      %get3A_101 = tpu.vector_load %arg9[%get3A_100] {strides = array<i32>} : memref<6400xf32, #tpu.memory_space<vmem>>, vector<16xf32>,
      %get3A_102 = vector.shape_cast %get3A_101 : vector<16xf32> to vector<16xf32>
      %mul3A_103 = arith.constant 16 : i32
      %mul3A_104 = arith.muli %add3A_97, %mul3A_103 : i32
      %get3A_105 = arith.index_cast %mul3A_104 : i32 to index
      %get3A_106 = tpu.vector_load %arg12[%get3A_105] {strides = array<i32>} : memref<6400xf32, #tpu.memory_space<vmem>>, vector<16xf32>,
      %get3A_107 = vector.shape_cast %get3A_106 : vector<16xf32> to vector<16xf32>
      %add3A_108 = arith.addf %get3A_102, %get3A_107 : vector<16xf32>
      %mul3A_109 = arith.constant 16 : i32
      %mul3A_110 = arith.muli %add3A_97, %mul3A_109 : i32
      %swap3A_111 = arith.index_cast %mul3A_110 : i32 to index
      %swap3A_112 = tpu.vector_load %arg15[%swap3A_111] {strides = array<i32>} : memref<6400xf32, #tpu.memory_space<vmem>>, vector<16xf32>,
      %swap3A_113 = vector.shape_cast %swap3A_112 : vector<16xf32> to vector<16xf32>
      %swap3A_114 = vector.shape_cast %add3A_108 : vector<16xf32> to vector<16xf32>
      tpu.vector_store %arg15[%swap3A_111], %swap3A_114 {strides = array<i32>} : memref<6400xf32, #tpu.memory_space<vmem>>, vector<16xf32>,
      %mul3A_115 = arith.constant 4 : i32
      %mul3A_116 = arith.muli %scan3A_74, %mul3A_115 : i32
      %add3A_117 = arith.constant 2 : i32
      %add3A_118 = arith.addi %mul3A_116, %add3A_117 : i32
      %mul3A_119 = arith.constant 16 : i32
      %mul3A_120 = arith.muli %add3A_118, %mul3A_119 : i32
      %get3A_121 = arith.index_cast %mul3A_120 : i32 to index
      %get3A_122 = tpu.vector_load %arg9[%get3A_121] {strides = array<i32>} : memref<6400xf32, #tpu.memory_space<vmem>>, vector<16xf32>,
      %get3A_123 = vector.shape_cast %get3A_122 : vector<16xf32> to vector<16xf32>
      %mul3A_124 = arith.constant 16 : i32
      %mul3A_125 = arith.muli %add3A_118, %mul3A_124 : i32
      %get3A_126 = arith.index_cast %mul3A_125 : i32 to index
      %get3A_127 = tpu.vector_load %arg12[%get3A_126] {strides = array<i32>} : memref<6400xf32, #tpu.memory_space<vmem>>, vector<16xf32>,
      %get3A_128 = vector.shape_cast %get3A_127 : vector<16xf32> to vector<16xf32>
      %add3A_129 = arith.addf %get3A_123, %get3A_128 : vector<16xf32>
      %mul3A_130 = arith.constant 16 : i32
      %mul3A_131 = arith.muli %add3A_118, %mul3A_130 : i32
      %swap3A_132 = arith.index_cast %mul3A_131 : i32 to index
      %swap3A_133 = tpu.vector_load %arg15[%swap3A_132] {strides = array<i32>} : memref<6400xf32, #tpu.memory_space<vmem>>, vector<16xf32>,
      %swap3A_134 = vector.shape_cast %swap3A_133 : vector<16xf32> to vector<16xf32>
      %swap3A_135 = vector.shape_cast %add3A_129 : vector<16xf32> to vector<16xf32>
      tpu.vector_store %arg15[%swap3A_132], %swap3A_135 {strides = array<i32>} : memref<6400xf32, #tpu.memory_space<vmem>>, vector<16xf32>,
      %mul3A_136 = arith.constant 4 : i32
      %mul3A_137 = arith.muli %scan3A_74, %mul3A_136 : i32
      %add3A_138 = arith.constant 3 : i32
      %add3A_139 = arith.addi %mul3A_137, %add3A_138 : i32
      %mul3A_140 = arith.constant 16 : i32
      %mul3A_141 = arith.muli %add3A_139, %mul3A_140 : i32
      %get3A_142 = arith.index_cast %mul3A_141 : i32 to index
      %get3A_143 = tpu.vector_load %arg9[%get3A_142] {strides = array<i32>} : memref<6400xf32, #tpu.memory_space<vmem>>, vector<16xf32>,
      %get3A_144 = vector.shape_cast %get3A_143 : vector<16xf32> to vector<16xf32>
      %mul3A_145 = arith.constant 16 : i32
      %mul3A_146 = arith.muli %add3A_139, %mul3A_145 : i32
      %get3A_147 = arith.index_cast %mul3A_146 : i32 to index
      %get3A_148 = tpu.vector_load %arg12[%get3A_147] {strides = array<i32>} : memref<6400xf32, #tpu.memory_space<vmem>>, vector<16xf32>,
      %get3A_149 = vector.shape_cast %get3A_148 : vector<16xf32> to vector<16xf32>
      %add3A_150 = arith.addf %get3A_144, %get3A_149 : vector<16xf32>
      %mul3A_151 = arith.constant 16 : i32
      %mul3A_152 = arith.muli %add3A_139, %mul3A_151 : i32
      %swap3A_153 = arith.index_cast %mul3A_152 : i32 to index
      %swap3A_154 = tpu.vector_load %arg15[%swap3A_153] {strides = array<i32>} : memref<6400xf32, #tpu.memory_space<vmem>>, vector<16xf32>,
      %swap3A_155 = vector.shape_cast %swap3A_154 : vector<16xf32> to vector<16xf32>
      %swap3A_156 = vector.shape_cast %add3A_150 : vector<16xf32> to vector<16xf32>
      tpu.vector_store %arg15[%swap3A_153], %swap3A_156 {strides = array<i32>} : memref<6400xf32, #tpu.memory_space<vmem>>, vector<16xf32>,
    }
    %scan3A_49 = arith.constant 100 : i32
    %add3A_50 = arith.constant 204800 : i32
    %add3A_51 = arith.addi %add3A_50, %mul3A_2 : i32
    %dma_start3A_52 = tpu.memref_slice %arg4[%add3A_51] : memref<614400xf32, #tpu.memory_space<hbm>> -> memref<6400xf32, #tpu.memory_space<hbm>>
    %dma_start3A_53 = tpu.memref_slice %arg4[%add3A_51] : memref<614400xf32, #tpu.memory_space<hbm>> -> memref<6400xf32, #tpu.memory_space<hbm>>
    tpu.enqueue_dma source(%arg15 : memref<6400xf32, #tpu.memory_space<vmem>>) target(%dma_start3A_53 : memref<6400xf32, #tpu.memory_space<hbm>>) target_semaphore(%arg23 : memref<!tpu.dma_semaphore, #tpu.memory_space<semaphore_mem>>)
    %dma_wait3A_54 = arith.constant 0 : i32
    %dma_wait3A_55 = tpu.memref_slice %arg2[%dma_wait3A_54] : memref<26214400xf32, #tpu.memory_space<hbm>> -> memref<26214400xf32, #tpu.memory_space<hbm>>
    tpu.wait_indirect_dma semaphore(%arg19 : memref<!tpu.dma_semaphore, #tpu.memory_space<semaphore_mem>>) src(%dma_wait3A_55 : memref<26214400xf32, #tpu.memory_space<hbm>>) dst(%arg10 : memref<6400xf32, #tpu.memory_space<vmem>>)
    %dma_wait3A_56 = tpu.memref_slice %arg3[%add3A_13] : memref<614400xf32, #tpu.memory_space<hbm>> -> memref<6400xf32, #tpu.memory_space<hbm>>
    %dma_wait3A_57 = tpu.memref_slice %arg3[%add3A_13] : memref<614400xf32, #tpu.memory_space<hbm>> -> memref<6400xf32, #tpu.memory_space<hbm>>
    tpu.wait_dma2 semaphore(%arg22 : memref<!tpu.dma_semaphore, #tpu.memory_space<semaphore_mem>>) src(%dma_wait3A_57 : memref<6400xf32, #tpu.memory_space<hbm>>) dst(%arg13 : memref<6400xf32, #tpu.memory_space<vmem>>)
    %scan3A_58 = arith.constant 0 : i32
    %scan3A_59 = arith.constant 0 : i32
    %scan3A_60 = arith.constant 100 : i32
    %scan3A_61 = arith.addi %scan3A_59, %scan3A_60 : i32
    %scan3A_62 = arith.constant 1 : i32
    scf.for %scan3A_74 = %scan3A_59 to %scan3A_61 step %scan3A_62  : i32 {
      %mul3A_75 = arith.constant 4 : i32
      %mul3A_76 = arith.muli %scan3A_74, %mul3A_75 : i32
      %add3A_77 = arith.constant 0 : i32
      %add3A_78 = arith.addi %mul3A_76, %add3A_77 : i32
      %mul3A_79 = arith.constant 16 : i32
      %mul3A_80 = arith.muli %add3A_78, %mul3A_79 : i32
      %get3A = arith.index_cast %mul3A_80 : i32 to index
      %get3A_81 = tpu.vector_load %arg10[%get3A] {strides = array<i32>} : memref<6400xf32, #tpu.memory_space<vmem>>, vector<16xf32>,
      %get3A_82 = vector.shape_cast %get3A_81 : vector<16xf32> to vector<16xf32>
      %mul3A_83 = arith.constant 16 : i32
      %mul3A_84 = arith.muli %add3A_78, %mul3A_83 : i32
      %get3A_85 = arith.index_cast %mul3A_84 : i32 to index
      %get3A_86 = tpu.vector_load %arg13[%get3A_85] {strides = array<i32>} : memref<6400xf32, #tpu.memory_space<vmem>>, vector<16xf32>,
      %get3A_87 = vector.shape_cast %get3A_86 : vector<16xf32> to vector<16xf32>
      %add3A_88 = arith.addf %get3A_82, %get3A_87 : vector<16xf32>
      %mul3A_89 = arith.constant 16 : i32
      %mul3A_90 = arith.muli %add3A_78, %mul3A_89 : i32
      %swap3A = arith.index_cast %mul3A_90 : i32 to index
      %swap3A_91 = tpu.vector_load %arg16[%swap3A] {strides = array<i32>} : memref<6400xf32, #tpu.memory_space<vmem>>, vector<16xf32>,
      %swap3A_92 = vector.shape_cast %swap3A_91 : vector<16xf32> to vector<16xf32>
      %swap3A_93 = vector.shape_cast %add3A_88 : vector<16xf32> to vector<16xf32>
      tpu.vector_store %arg16[%swap3A], %swap3A_93 {strides = array<i32>} : memref<6400xf32, #tpu.memory_space<vmem>>, vector<16xf32>,
      %mul3A_94 = arith.constant 4 : i32
      %mul3A_95 = arith.muli %scan3A_74, %mul3A_94 : i32
      %add3A_96 = arith.constant 1 : i32
      %add3A_97 = arith.addi %mul3A_95, %add3A_96 : i32
      %mul3A_98 = arith.constant 16 : i32
      %mul3A_99 = arith.muli %add3A_97, %mul3A_98 : i32
      %get3A_100 = arith.index_cast %mul3A_99 : i32 to index
      %get3A_101 = tpu.vector_load %arg10[%get3A_100] {strides = array<i32>} : memref<6400xf32, #tpu.memory_space<vmem>>, vector<16xf32>,
      %get3A_102 = vector.shape_cast %get3A_101 : vector<16xf32> to vector<16xf32>
      %mul3A_103 = arith.constant 16 : i32
      %mul3A_104 = arith.muli %add3A_97, %mul3A_103 : i32
      %get3A_105 = arith.index_cast %mul3A_104 : i32 to index
      %get3A_106 = tpu.vector_load %arg13[%get3A_105] {strides = array<i32>} : memref<6400xf32, #tpu.memory_space<vmem>>, vector<16xf32>,
      %get3A_107 = vector.shape_cast %get3A_106 : vector<16xf32> to vector<16xf32>
      %add3A_108 = arith.addf %get3A_102, %get3A_107 : vector<16xf32>
      %mul3A_109 = arith.constant 16 : i32
      %mul3A_110 = arith.muli %add3A_97, %mul3A_109 : i32
      %swap3A_111 = arith.index_cast %mul3A_110 : i32 to index
      %swap3A_112 = tpu.vector_load %arg16[%swap3A_111] {strides = array<i32>} : memref<6400xf32, #tpu.memory_space<vmem>>, vector<16xf32>,
      %swap3A_113 = vector.shape_cast %swap3A_112 : vector<16xf32> to vector<16xf32>
      %swap3A_114 = vector.shape_cast %add3A_108 : vector<16xf32> to vector<16xf32>
      tpu.vector_store %arg16[%swap3A_111], %swap3A_114 {strides = array<i32>} : memref<6400xf32, #tpu.memory_space<vmem>>, vector<16xf32>,
      %mul3A_115 = arith.constant 4 : i32
      %mul3A_116 = arith.muli %scan3A_74, %mul3A_115 : i32
      %add3A_117 = arith.constant 2 : i32
      %add3A_118 = arith.addi %mul3A_116, %add3A_117 : i32
      %mul3A_119 = arith.constant 16 : i32
      %mul3A_120 = arith.muli %add3A_118, %mul3A_119 : i32
      %get3A_121 = arith.index_cast %mul3A_120 : i32 to index
      %get3A_122 = tpu.vector_load %arg10[%get3A_121] {strides = array<i32>} : memref<6400xf32, #tpu.memory_space<vmem>>, vector<16xf32>,
      %get3A_123 = vector.shape_cast %get3A_122 : vector<16xf32> to vector<16xf32>
      %mul3A_124 = arith.constant 16 : i32
      %mul3A_125 = arith.muli %add3A_118, %mul3A_124 : i32
      %get3A_126 = arith.index_cast %mul3A_125 : i32 to index
      %get3A_127 = tpu.vector_load %arg13[%get3A_126] {strides = array<i32>} : memref<6400xf32, #tpu.memory_space<vmem>>, vector<16xf32>,
      %get3A_128 = vector.shape_cast %get3A_127 : vector<16xf32> to vector<16xf32>
      %add3A_129 = arith.addf %get3A_123, %get3A_128 : vector<16xf32>
      %mul3A_130 = arith.constant 16 : i32
      %mul3A_131 = arith.muli %add3A_118, %mul3A_130 : i32
      %swap3A_132 = arith.index_cast %mul3A_131 : i32 to index
      %swap3A_133 = tpu.vector_load %arg16[%swap3A_132] {strides = array<i32>} : memref<6400xf32, #tpu.memory_space<vmem>>, vector<16xf32>,
      %swap3A_134 = vector.shape_cast %swap3A_133 : vector<16xf32> to vector<16xf32>
      %swap3A_135 = vector.shape_cast %add3A_129 : vector<16xf32> to vector<16xf32>
      tpu.vector_store %arg16[%swap3A_132], %swap3A_135 {strides = array<i32>} : memref<6400xf32, #tpu.memory_space<vmem>>, vector<16xf32>,
      %mul3A_136 = arith.constant 4 : i32
      %mul3A_137 = arith.muli %scan3A_74, %mul3A_136 : i32
      %add3A_138 = arith.constant 3 : i32
      %add3A_139 = arith.addi %mul3A_137, %add3A_138 : i32
      %mul3A_140 = arith.constant 16 : i32
      %mul3A_141 = arith.muli %add3A_139, %mul3A_140 : i32
      %get3A_142 = arith.index_cast %mul3A_141 : i32 to index
      %get3A_143 = tpu.vector_load %arg10[%get3A_142] {strides = array<i32>} : memref<6400xf32, #tpu.memory_space<vmem>>, vector<16xf32>,
      %get3A_144 = vector.shape_cast %get3A_143 : vector<16xf32> to vector<16xf32>
      %mul3A_145 = arith.constant 16 : i32
      %mul3A_146 = arith.muli %add3A_139, %mul3A_145 : i32
      %get3A_147 = arith.index_cast %mul3A_146 : i32 to index
      %get3A_148 = tpu.vector_load %arg13[%get3A_147] {strides = array<i32>} : memref<6400xf32, #tpu.memory_space<vmem>>, vector<16xf32>,
      %get3A_149 = vector.shape_cast %get3A_148 : vector<16xf32> to vector<16xf32>
      %add3A_150 = arith.addf %get3A_144, %get3A_149 : vector<16xf32>
      %mul3A_151 = arith.constant 16 : i32
      %mul3A_152 = arith.muli %add3A_139, %mul3A_151 : i32
      %swap3A_153 = arith.index_cast %mul3A_152 : i32 to index
      %swap3A_154 = tpu.vector_load %arg16[%swap3A_153] {strides = array<i32>} : memref<6400xf32, #tpu.memory_space<vmem>>, vector<16xf32>,
      %swap3A_155 = vector.shape_cast %swap3A_154 : vector<16xf32> to vector<16xf32>
      %swap3A_156 = vector.shape_cast %add3A_150 : vector<16xf32> to vector<16xf32>
      tpu.vector_store %arg16[%swap3A_153], %swap3A_156 {strides = array<i32>} : memref<6400xf32, #tpu.memory_space<vmem>>, vector<16xf32>,
    }
    %scan3A_63 = arith.constant 100 : i32
    %add3A_64 = arith.constant 409600 : i32
    %add3A_65 = arith.addi %add3A_64, %mul3A_2 : i32
    %dma_start3A_66 = tpu.memref_slice %arg4[%add3A_65] : memref<614400xf32, #tpu.memory_space<hbm>> -> memref<6400xf32, #tpu.memory_space<hbm>>
    %dma_start3A_67 = tpu.memref_slice %arg4[%add3A_65] : memref<614400xf32, #tpu.memory_space<hbm>> -> memref<6400xf32, #tpu.memory_space<hbm>>
    tpu.enqueue_dma source(%arg16 : memref<6400xf32, #tpu.memory_space<vmem>>) target(%dma_start3A_67 : memref<6400xf32, #tpu.memory_space<hbm>>) target_semaphore(%arg23 : memref<!tpu.dma_semaphore, #tpu.memory_space<semaphore_mem>>)
    %dma_wait3A_68 = tpu.memref_slice %arg4[%add3A_37] : memref<614400xf32, #tpu.memory_space<hbm>> -> memref<6400xf32, #tpu.memory_space<hbm>>
    %dma_wait3A_69 = tpu.memref_slice %arg4[%add3A_37] : memref<614400xf32, #tpu.memory_space<hbm>> -> memref<6400xf32, #tpu.memory_space<hbm>>
    tpu.wait_dma2 semaphore(%arg23 : memref<!tpu.dma_semaphore, #tpu.memory_space<semaphore_mem>>) src(%arg14 : memref<6400xf32, #tpu.memory_space<vmem>>) dst(%dma_wait3A_69 : memref<6400xf32, #tpu.memory_space<hbm>>)
    %dma_wait3A_70 = tpu.memref_slice %arg4[%add3A_51] : memref<614400xf32, #tpu.memory_space<hbm>> -> memref<6400xf32, #tpu.memory_space<hbm>>
    %dma_wait3A_71 = tpu.memref_slice %arg4[%add3A_51] : memref<614400xf32, #tpu.memory_space<hbm>> -> memref<6400xf32, #tpu.memory_space<hbm>>
    tpu.wait_dma2 semaphore(%arg23 : memref<!tpu.dma_semaphore, #tpu.memory_space<semaphore_mem>>) src(%arg15 : memref<6400xf32, #tpu.memory_space<vmem>>) dst(%dma_wait3A_71 : memref<6400xf32, #tpu.memory_space<hbm>>)
    %dma_wait3A_72 = tpu.memref_slice %arg4[%add3A_65] : memref<614400xf32, #tpu.memory_space<hbm>> -> memref<6400xf32, #tpu.memory_space<hbm>>
    %dma_wait3A_73 = tpu.memref_slice %arg4[%add3A_65] : memref<614400xf32, #tpu.memory_space<hbm>> -> memref<6400xf32, #tpu.memory_space<hbm>>
    tpu.wait_dma2 semaphore(%arg23 : memref<!tpu.dma_semaphore, #tpu.memory_space<semaphore_mem>>) src(%arg16 : memref<6400xf32, #tpu.memory_space<vmem>>) dst(%dma_wait3A_73 : memref<6400xf32, #tpu.memory_space<hbm>>)
    return
  }
}

</mosaic_0001>

<sc_bundles>
// kernel: kernel.3.cloned.1.call-start
scs
__scs_entry_jumppad:
0x0: {  	(pc) =	sbr.rel $0x88, $3  }
0x1: {  	(tag) =	ssettag $0x0;
	lr =	simm.s32 $0x1  }
0x2: {  	[smem:$0x3F9F] =	sst lr;
	_ =	strace $0xD0000000  }
0x3: {  	_ = 	snop  }
0x4: {  	_ = 	snop  }
0x5: {  	_ = 	snop  }
0x6: {  	_ = 	snop  }
0x7: {  	_ = 	snop  }
__scs_overlays_trampoline_lowered:
0x8: {  	[smem:$0x3FAE] =	sst s0  }
0x9: {  	[smem:$0x3FAF] =	sst s1  }
0xa: {  	[smem:$0x3FB0] =	sst s2  }
0xb: {  	[smem:$0x3FB1] =	sst s3  }
0xc: {  	[smem:$0x3FB2] =	sst s4  }
0xd: {  	[smem:$0x3FB3] =	sst s5  }
0xe: {  	[smem:$0x3FB4] =	sst s6  }
0xf: {  	[smem:$0x3FB5] =	sst s7  }
0x10: {  	[smem:$0x3FB6] =	sst s8  }
0x11: {  	[smem:$0x3FB7] =	sst s9;
	s0 =	simm.s32 @!p0 $0x0  }
0x12: {  	s1 =	sld [smem:$0x3F9D];
	s0 =	simm.s32 @p0 $0x1  }
0x13: {  	[smem:$0x3FB8] =	sst s0;
	s0 =	simm.s32 @!p1 $0x0  }
0x14: {  	s2 =	sld [smem:$0x3F9C];
	s0 =	simm.s32 @p1 $0x1  }
0x15: {  	[smem:$0x3FB9] =	sst s0;
	s0 =	simm.s32 @!p2 $0x0  }
0x16: {  	s3 =	sld [smem:$0x3FDB];
	s0 =	simm.s32 @p2 $0x1  }
0x17: {  	s4 =	simm.s32 $0x1BF5;
	[smem:$0x3FBB] =	sst s0  }
0x18: {  	s0 =	sld [smem:$0x3F9E];
	_ =	swait.ge [sflag:s4], $0x0  }
0x19: {  	s7 =	sld [smem:$0x3F9F]  }
0x1a: {  	s8 =	sadd.s32 $0xFFFFE003, lr  }
0x1b: {  	s9 =	sadd.s32 $0xFFFFFEF7, lr;
	s5 =	simm.s32 $0xFFFFFFFF;
	p2 =	slt.u32 s8, $0xFFFFF086  }
0x1c: {  	p1 =	slt.u32 s9, $0xF7A;
	s5 =	simm.s32 @!p2 $0x0  }
0x1d: {  	s5 =	simm.s32 @p1 $0x1;
	p0 =	seq.s32 s7, s2  }
0x1e: {  	s7 =	smul.u32 @!p0 $0xF7A, s2;
	p2 =	seq.s32 @!p0 s5, $0x0  }
0x1f: {  	s9 =	smul.u32 $0xF7A, s1;
	s8 =	simm.s32 @!p0 $0x1BF5;
	p2 =	por !p2, p0  }
0x20: {  	[sflag:s8] =	ssyncset.s32 @!p0 $0xFFFFF086;
	s6 =	sadd.s32 @!p0 s3, s7;
	s7 =	simm.s32 @!p0 $0x108  }
0x21: {  	s3 =	sadd.s32 s3, s9;
	s6 =	sadd.s32 @!p0 $0x88, s6;
	s7 =	simm.s32 @p2 $0x1082  }
0x22: {  	[simem:s7], [sflag:s8] =	dma.local @!p0 [hbm:s6], $0xF7A  }
0x23: {  	s9 =	sor.u32 $0xD0000000, s2;
	s6 =	simm.s32 $0x108;
	_ =	swait.ge @!p0 [sflag:s8], $0x0  }
0x24: {  	s3 =	sadd.s32 $0x88, s3;
	s6 =	simm.s32 @!p1 $0x1082;
	[sflag:s4] =	ssyncset.s32 $0xFFFFF086  }
0x25: {  	[simem:s6], [sflag:s4] =	dma.local [hbm:s3], $0xF7A  }
0x26: {  	[smem:$0x3F9F] =	sst s1;
	(tag) =	ssettag s2;
	_ =	strace s9  }
0x27: {  	s1 =	sld [smem:$0x3FAF]  }
0x28: {  	s2 =	sld [smem:$0x3FB0]  }
0x29: {  	s4 =	sld [smem:$0x3FB2]  }
0x2a: {  	p0 =	seq.s32 s5, $0x0;
	s5 =	sld [smem:$0x3FB3]  }
0x2b: {  	s6 =	sld [smem:$0x3FB4]  }
0x2c: {  	s7 =	sld [smem:$0x3FB5]  }
0x2d: {  	s3 =	simm.s32 $0x108;
	s8 =	sld [smem:$0x3FB6]  }
0x2e: {  	s3 =	simm.s32 @!p0 $0x1082;
	s9 =	sld [smem:$0x3FB7]  }
0x2f: {  	lr =	sadd.s32 s0, s3;
	s0 =	sld [smem:$0x3FAE]  }
0x30: {  	s3 =	sld [smem:$0x3FB1]  }
0x31: {  	[smem:$0x3FBA] =	sst s10  }
0x32: {  	s10 =	sld [smem:$0x3FB8];
	_ =	sdelay $0x3  }
0x33: {  	p0 =	seq.s32 s10, $0x1;
	s10 =	sld [smem:$0x3FBA];
	_ =	sdelay $0x3  }
0x34: {  	[smem:$0x3FBA] =	sst s10  }
0x35: {  	s10 =	sld [smem:$0x3FB9];
	_ =	sdelay $0x3  }
0x36: {  	p1 =	seq.s32 s10, $0x1;
	s10 =	sld [smem:$0x3FBA];
	_ =	sdelay $0x3  }
0x37: {  	[smem:$0x3FBA] =	sst s10  }
0x38: {  	s10 =	sld [smem:$0x3FBB]  }
0x39: {  	_ = 	snop;
	(pc) =	sbr.ind lr, $3  }
0x3a: {  	_ = 	snop  }
0x3b: {  	_ = 	snop  }
0x3c: {  	p2 =	seq.s32 s10, $0x1;
	s10 =	sld [smem:$0x3FBA]  }
0x3d: {  	_ =	shalt  }
0x3e: {  	_ =	shalt  }
0x3f: {  	_ =	shalt  }
0x40: {  	_ =	shalt  }
0x41: {  	_ =	shalt  }
0x42: {  	_ =	shalt  }
0x43: {  	_ =	shalt  }
0x44: {  	_ =	shalt  }
0x45: {  	_ =	shalt  }
0x46: {  	_ =	shalt  }
0x47: {  	_ =	shalt  }
0x48: {  	_ =	shalt  }
0x49: {  	_ =	shalt  }
0x4a: {  	_ =	shalt  }
0x4b: {  	_ =	shalt  }
0x4c: {  	_ =	shalt  }
0x4d: {  	_ =	shalt  }
0x4e: {  	_ =	shalt  }
0x4f: {  	_ =	shalt  }
0x50: {  	_ =	shalt  }
0x51: {  	_ =	shalt  }
0x52: {  	_ =	shalt  }
0x53: {  	_ =	shalt  }
0x54: {  	_ =	shalt  }
0x55: {  	_ =	shalt  }
0x56: {  	_ =	shalt  }
0x57: {  	_ =	shalt  }
0x58: {  	_ =	shalt  }
0x59: {  	_ =	shalt  }
0x5a: {  	_ =	shalt  }
0x5b: {  	_ =	shalt  }
0x5c: {  	_ =	shalt  }
0x5d: {  	_ =	shalt  }
0x5e: {  	_ =	shalt  }
0x5f: {  	_ =	shalt  }
0x60: {  	_ =	shalt  }
0x61: {  	_ =	shalt  }
0x62: {  	_ =	shalt  }
0x63: {  	_ =	shalt  }
0x64: {  	_ =	shalt  }
0x65: {  	_ =	shalt  }
0x66: {  	_ =	shalt  }
0x67: {  	_ =	shalt  }
0x68: {  	_ =	shalt  }
0x69: {  	_ =	shalt  }
0x6a: {  	_ =	shalt  }
0x6b: {  	_ =	shalt  }
0x6c: {  	_ =	shalt  }
0x6d: {  	_ =	shalt  }
0x6e: {  	_ =	shalt  }
0x6f: {  	_ =	shalt  }
0x70: {  	_ =	shalt  }
0x71: {  	_ =	shalt  }
0x72: {  	_ =	shalt  }
0x73: {  	_ =	shalt  }
0x74: {  	_ =	shalt  }
0x75: {  	_ =	shalt  }
0x76: {  	_ =	shalt  }
0x77: {  	_ =	shalt  }
0x78: {  	_ =	shalt  }
0x79: {  	_ =	shalt  }
0x7a: {  	_ =	shalt  }
0x7b: {  	_ =	shalt  }
0x7c: {  	_ =	shalt  }
0x7d: {  	_ =	shalt  }
0x7e: {  	_ =	shalt  }
0x7f: {  	_ =	shalt  }
0x80: {  	_ =	shalt  }
0x81: {  	_ =	shalt  }
0x82: {  	_ =	shalt  }
0x83: {  	_ =	shalt  }
0x84: {  	_ =	shalt  }
0x85: {  	_ =	shalt  }
0x86: {  	_ =	shalt  }
0x87: {  	_ =	shalt  }
.Lfunc_end0:
.L_simem_size_0:
called_computation_lowered:
.L_overlay_start_0:
0x88: {  	s2 =	sld [smem:$0x3FD9]  }
0x89: {  	s3 =	sld [smem:$0x3FFE];
	_ =	sdelay $0x1  }
0x8a: {  	s1 =	srdreg.scid  }
0x8b: {  	s0 =	sand.u32 $0x1, s1  }
0x8c: {  	s18 =	sshll.u32 s0, $0xA;
	s2 =	sadd.s32 s3, s2  }
0x8d: {  	s2 =	sadd.s32 s2, s18  }
0x8e: {  	[smem:$0x3FC6] =	sst s2  }
0x8f: {  	_ = 	snop  }
0x90: {  	s2 =	sld [smem:$0x3FC9]  }
0x91: {  	s19 =	sld [smem:$0x3FC8]  }
0x92: {  	s4 =	sld [smem:$0x3FD0];
	(tm) =	ssettm $0x1  }
0x93: {  	s5 =	sld [smem:$0x3FFB];
	_ =	sdelay $0x3  }
0x94: {  	_ =	strace s5  }
0x95: {  	s5 =	sld [smem:$0x3FFC];
	_ =	sdelay $0x3  }
0x96: {  	_ =	strace s5  }
0x97: {  	s5 =	sld [smem:$0x3FFD];
	_ =	sdelay $0x3  }
0x98: {  	_ =	strace s5  }
0x99: {  	_ =	strace $0x8FFFFFFF  }
0x9a: {  	s20 =	sld [smem:$0x3FDB];
	_ =	sdelay $0x1  }
0x9b: {  	s6 =	simm.s32 $_scs_section_size  }
0x9c: {  	s7 =	simm.s32 $_size__tile_overlayer_lowered;
	s8 =	simm.s32 $_tile_overlayer_lowered  }
0x9d: {  	s23 =	simm.s32 $0x1BFF;
	s22 =	sshll.u32 s8, $0x1;
	s5 =	sadd.s32 s6, s20  }
0x9e: {  	s9 =	simm.s32 $0x0;
	s21 =	sshll.u32 s7, $0x1;
	s7 =	sadd.s32 s22, s5  }
0x9f: {  	[timem:s9], [sflag:s23] =	dma.local [hbm:s7], s21  }
0xa0: {  	_ =	swait.ge [sflag:s23], s21  }
0xa1: {  	s6 =	ssub.s32 $0x0, s21;
	[sflag:s23] =	ssyncset.done $0x0  }
0xa2: {  	[sflag:s23] =	ssyncadd.s32 s6;
	_ =	sdelay $0x1  }
0xa3: {  	s24 =	simm.s32 $0x1B8B  }
0xa4: {  	_ =	swait.ge [sflag:s24], $0x1  }
0xa5: {  	[sflag:s24] =	ssyncset.done $0x0  }
0xa6: {  	s25 =	simm.s32 $0x1B8E;
	[sflag:s24] =	ssyncadd.s32 $0xFFFFFFFF  }
0xa7: {  	s26 =	simm.s32 $execute0_lowered;
	[smem:$0x3FD2] =	sst s25  }
0xa8: {  	s6 =	sshll.u32 s26, $0x1;
	_ =	strace $0x80000046;
	[dreg:$0x1] =	wrdreg $0xFFFFFFFF  }
0xa9: {  	s28 =	simm.s32 $_size_execute0_lowered;
	s5 =	sadd.s32 s5, s6;
	[dreg:$0x0] =	wrdreg $0x0  }
0xaa: {  	s6 =	sshll.u32 s28, $0x1;
	[dreg:$0x2] =	wrdreg s5  }
0xab: {  	[dreg:$0x3] =	wrdreg s6  }
0xac: {  	[dreg:$0x4] =	wrdreg $0xC0  }
0xad: {  	_ =	task [dreg:s9], $0x5FFFF  }
0xae: {  	[dreg:$0x1] =	wrdreg $0xFFFFFFFF  }
0xaf: {  	[dreg:$0x0] =	wrdreg $0x60  }
0xb0: {  	[dreg:$0x2] =	wrdreg s2  }
0xb1: {  	[dreg:$0x3] =	wrdreg s19  }
0xb2: {  	[dreg:$0x4] =	wrdreg s4  }
0xb3: {  	[dreg:$0x5] =	wrdreg $0x9  }
0xb4: {  	_ =	task.clear_ibuf [dreg:s9], $0x6FFFF;
	_ =	strace $0x90000046  }
0xb5: {  	s29 =	simm.s32 $0x9;
	_ =	strace $0x80000048  }
0xb6: {  	_ =	swait.ge [sflag:s29], $0x1  }
0xb7: {  	[sflag:s29] =	ssyncadd.s32 $0xFFFFFFFF  }
0xb8: {  	_ =	strace $0x90000048  }
0xb9: {  	_ =	sfence  }
0xba: {  	s30 =	sld [smem:$0x0];
	_ =	sdelay $0x2  }
0xbb: {  	s31 =	sshll.u32 s1, $0xD;
	s1 =	sshrl.u32 s1, $0x2  }
0xbc: {  	s3 =	sand.u32 $0x4000, s31;
	s1 =	sadd.s32 s1, s30  }
0xbd: {  	s0 =	sor.u32 s3, s0;
	s1 =	sshll.u32 s1, $0x11  }
0xbe: {  	s0 =	sor.u32 s1, s0  }
0xbf: {  	s0 =	sadd.s32 $0x8F2B, s0  }
0xc0: {  	[sflag:s0] =	ssyncadd.remote.s32 $0x1  }
0xc1: {  	_ =	sfence.sel $0xFFFF  }
0xc2: {  	[dreg:$0x0] =	wrdreg $0xFFFFFFFF;
	(pc) =	sbr.abs _section_cstart, $3  }
0xc3: {  	[dreg:$0x1] =	wrdreg $0xFFFFFFFF  }
0xc4: {  	_ =	task.clear_ibuf [dreg:s9], $0x2FFFF;
	_ =	strace $0x9FFFFFFF  }
0xc5: {  	(tm) =	ssettm $0x7FFFFFFF  }
tec
execute0_lowered:
.L_overlay_start_1:
0x0: {  	(tag) =	ssettag $0x1  }
0x1: {  	s1 =	rddreg [dreg:$0x0]  }
0x2: {  	s0 =	rddreg [dreg:$0x1]  }
0x3: {  	s2 =	srdreg.scid;
	s8 =	stileid.u32  }
0x4: {  	s10 =	rddreg [dreg:$0x2];
	s3 =	simm.s32 $0x0;
	s31 =	simm.s32 $0xFFFFFFFF  }
0x5: {  	s17 =	simm.s32 $0x1900;
	s22 =	simm.s32 $0x1;
	s23 =	simm.s32 $0x4  }
0x6: {  	s29 =	simm.s32 $0x3;
	s30 =	simm.s32 $0x6;
	s2 =	sand.u32 $0x1, s2  }
0x7: {  	s4 =	sshll.u32 s8, $0x1;
	[smem:$0x7FF] =	sst s3;
	s8 =	smul.u32 $0x3200, s8  }
0x8: {  	s4 =	sor.u32 s2, s4;
	s5 =	ssub.s32 $0x2, s2;
	s2 =	smul.u32 $0x1900, s2  }
0x9: {  	_ =	strace $0x80000047;
	s4 =	smul.u32 $0x1900, s4;
	s6 =	sshrl.u32 s5, $0x1  }
0xa: {  	[dreg:$0x4] =	wrdreg s31;
	s11 =	ssub.s32 s5, s6;
	s8 =	sadd.s32 s2, s8  }
0xb: {  	s2 =	simm.s32 $0x7;
	s7 =	sshrl.u32 s4, $0x3;
	s28 =	sor.u32 $0x10, s8  }
0xc: {  	s11 =	smax.u32 s11, $0x1;
	s9 =	sadd.s32 $0x6400, s7;
	s4 =	sadd.s32 s0, s7  }
0xd: {  	s12 =	sadd.s32 $0xC800, s7;
	s26 =	sadd.s32 s10, s7;
	s13 =	sshrl.u32 s28, $0x3  }
0xe: {  	v0 =	vlaneseq.u32;
	[dreg:$0x5] =	wrdreg s4;
	s25 =	sadd.s32 s0, s9;
	s0 =	sadd.s32 s0, s12  }
0xf: {  	v2 =	vmul.u32 $0x6400, v0;
	[dreg:$0x8] =	wrdreg s26;
	s9 =	sadd.s32 s10, s9;
	s10 =	sadd.s32 s10, s12  }
0x10: {  	s12 =	sshrl.u32 s8, $0x3;
	s26 =	simm.s32 $0x5;
	[dreg:$0x6] =	wrdreg s25  }
0x11: {  	v0 =	vor.u32 $0x3, v2;
	v1 =	vor.u32 $0x1, v2;
	v2 =	vor.u32 $0x2, v2;
	[dreg:$0x7] =	wrdreg s0;
	s25 =	simm.s32 $0x2;
	s0 =	simm.s32 $0x0  }
.LBB2_1:
0x12: {  	s4 =	rddreg [dreg:$0x5];
	s5 =	simm.s32 $0x9600;
	s14 =	simm.s32 $0x0  }
0x13: {  	[tilespmem:s5], [sflag:$0x4] =	stream.linear.gather [hbm4b:s4+s3], $0x1900, $0x38;
	[tilespmem:$0x12C00] =	vst v63  }
0x14: {  	s20 =	rddreg [dreg:$0x6];
	s15 =	sadd.s32 $0x10, s8;
	s14 =	sand.u32 $0x60, s14  }
0x15: {  	s21 =	simm.s32 $0xAF00;
	p0 =	seq.s32 s15, $0x10;
	p1 =	sne.s32 s14, $0x0  }
0x16: {  	[tilespmem:s21], [sflag:$0x5] =	stream.linear.gather [hbm4b:s20+s3], $0x1900, $0x38;
	[tilespmem:$0x12C00] =	vst v63  }
0x17: {  	s24 =	rddreg [dreg:$0x7];
	s31 =	simm.s32 $0xC800;
	p0 =	por !p0, !p1  }
0x18: {  	s16 =	rddreg [dreg:$0x4];
	s18 =	sand.u32 $0x380, s12;
	p0 =	por !p0, !p0  }
0x19: {  	[tilespmem:s31], [sflag:$0x6] =	stream.linear.gather [hbm4b:s24+s3], $0x1900, $0x38;
	[tilespmem:$0x12C00] =	vst v63  }
0x1a: {  	s6 =	sand.u32 $0x380, s13;
	s7 =	sand.u32 $0xFFFFC00, s13;
	s16 =	simm.s32 @!p0 $0x0  }
0x1b: {  	s5 =	sand.u32 $0xFFFFC00, s12;
	s14 =	sor.u32 s14, s18;
	s16 =	sshll.u32 s16, $0x7  }
0x1c: {  	s18 =	simm.s32 $0x10;
	s19 =	smul.u32 $0x6400, s14;
	s4 =	sadd.s32 s16, s15  }
0x1d: {  	s14 =	simm.s32 $0x3210;
	s21 =	simm.s32 $0x20;
	s20 =	sadd.s32 $0xFFFFFFF0, s4  }
0x1e: {  	s28 =	sand.u32 $0x70, s18;
	s16 =	sadd.s32 s5, s19;
	s20 =	sand.u32 $0x380, s20  }
0x1f: {  	s21 =	sand.u32 $0x60, s21;
	s19 =	sor.u32 s20, s16;
	s16 =	sadd.s32 $0x30, s8  }
0x20: {  	s24 =	simm.s32 $0x1910;
	p6 =	sne.s32 s21, $0x0;
	p5 =	seq.s32 s16, $0x10  }
0x21: {  	s31 =	rddreg [dreg:$0x4];
	s15 =	sand.u32 $0x380, s15;
	p0 =	por !p5, !p6  }
0x22: {  	s4 =	sor.u32 s28, s6;
	s20 =	sadd.s32 $0x4, s12;
	p0 =	por !p0, !p0  }
0x23: {  	s4 =	smul.u32 $0x6400, s4;
	v3 =	vadd.s32 s19, v0;
	s28 =	sand.u32 $0x380, s20;
	s31 =	simm.s32 @!p0 $0x0  }
0x24: {  	s5 =	sor.u32 s15, s7;
	[tilespmem:s18+$0xFFFFFFF0] =	vst v3;
	s21 =	sor.u32 s21, s28;
	v3 =	vadd.s32 s19, v1;
	s28 =	sshll.u32 s31, $0x7  }
0x25: {  	s4 =	sadd.s32 s4, s5;
	s21 =	smul.u32 $0x6400, s21;
	[tilespmem:s24+$0xFFFFFFF0] =	vst v3;
	v3 =	vadd.s32 s19, v2;
	s6 =	sadd.s32 s28, s16  }
0x26: {  	s7 =	sand.u32 $0xFFFFC00, s20;
	[tilespmem:s14+$0xFFFFFFF0] =	vst v3;
	v3 =	vadd.s32 s4, v0;
	s31 =	sadd.s32 $0xFFFFFFF0, s6  }
0x27: {  	s15 =	simm.s32 $0x30;
	s5 =	sadd.s32 s7, s21;
	[tilespmem:s18+$0x0] =	vst v3;
	v3 =	vadd.s32 s4, v1;
	s19 =	sand.u32 $0x380, s31  }
0x28: {  	s20 =	sadd.s32 $0x4, s20;
	v4 =	vadd.s32 s4, v2;
	s18 =	simm.s32 $0x1930;
	[tilespmem:s24+$0x0] =	vst v3;
	s21 =	sor.u32 s19, s5  }
0x29: {  	s24 =	simm.s32 $0x50;
	s28 =	simm.s32 $0x30;
	[tilespmem:s14+$0x0] =	vst v4;
	s19 =	sadd.s32 $0x4, s13;
	v3 =	vadd.s32 s21, v0  }
.LBB2_2:
0x2a: {  	s4 =	sadd.s32 $0xFFFFFFF0, s24  }
0x2b: {  	p0 =	sne.s32 s24, $0x18F0;
	s14 =	sadd.s32 $0x20, s14;
	s5 =	sadd.s32 s24, s8  }
0x2c: {  	s28 =	sand.u32 $0x70, s28;
	s31 =	rddreg [dreg:$0x4];
	s4 =	sand.u32 $0x60, s4  }
0x2d: {  	s6 =	sand.u32 $0x380, s19;
	p1 =	seq.s32 s5, $0x10;
	p2 =	sne.s32 s4, $0x0  }
0x2e: {  	s7 =	sand.u32 $0xFFFFC00, s19;
	s16 =	sand.u32 $0x380, s16;
	p1 =	por !p1, !p2  }
0x2f: {  	s6 =	sor.u32 s28, s6;
	s28 =	sand.u32 $0x380, s20;
	p1 =	por !p1, !p1  }
0x30: {  	s6 =	smul.u32 $0x6400, s6;
	s4 =	sor.u32 s4, s28;
	s31 =	simm.s32 @!p1 $0x0  }
0x31: {  	[tilespmem:s15+$0xFFFFFFF0] =	vst v3;
	v3 =	vadd.s32 s21, v1;
	s7 =	sor.u32 s16, s7;
	s4 =	smul.u32 $0x6400, s4;
	s28 =	sshll.u32 s31, $0x7  }
.Ltmp0:
0x32: {  	[tilespmem:s18+$0xFFFFFFF0] =	vst v3;
	v3 =	vadd.s32 s21, v2;
	s6 =	sadd.s32 s6, s7;
	s31 =	sadd.s32 s28, s5;
	(pc) =	sbr.rel @p0 .LBB2_2-.Ltmp0, $4  }
0x33: {  	s19 =	sadd.s32 $0x4, s19;
	[tilespmem:s14+$0xFFFFFFF0] =	vst v3;
	s7 =	sand.u32 $0xFFFFC00, s20;
	v3 =	vadd.s32 s6, v0;
	s31 =	sadd.s32 $0xFFFFFFF0, s31  }
0x34: {  	s16 =	smov.u32 s5;
	s4 =	sadd.s32 s7, s4;
	[tilespmem:s15+$0x0] =	vst v3;
	v3 =	vadd.s32 s6, v1;
	s31 =	sand.u32 $0x380, s31  }
0x35: {  	s20 =	sadd.s32 $0x4, s20;
	v4 =	vadd.s32 s6, v2;
	s15 =	sadd.s32 $0x20, s15;
	[tilespmem:s18+$0x0] =	vst v3;
	s21 =	sor.u32 s31, s4  }
0x36: {  	s28 =	smov.u32 s24;
	s24 =	sadd.s32 $0x20, s24;
	s18 =	sadd.s32 $0x20, s18;
	[tilespmem:s14+$0x0] =	vst v4;
	v3 =	vadd.s32 s21, v0  }
0x37: {  	s4 =	sand.u32 $0x70, s28;
	s5 =	sand.u32 $0x380, s19  }
0x38: {  	s4 =	sor.u32 s4, s5  }
0x39: {  	s7 =	sand.u32 $0xFFFFC00, s19;
	s6 =	sand.u32 $0x380, s16;
	s4 =	smul.u32 $0x6400, s4  }
0x3a: {  	[tilespmem:s15+$0xFFFFFFF0] =	vst v3;
	v3 =	vadd.s32 s21, v1;
	s5 =	sor.u32 s6, s7  }
0x3b: {  	s19 =	sadd.s32 $0x20, s14;
	[tilespmem:s18+$0xFFFFFFF0] =	vst v3;
	v3 =	vadd.s32 s21, v2;
	s4 =	sadd.s32 s4, s5  }
0x3c: {  	[tilespmem:s19+$0xFFFFFFF0] =	vst v3;
	v3 =	vadd.s32 s4, v0  }
0x3d: {  	[tilespmem:s15+$0x0] =	vst v3;
	v3 =	vadd.s32 s4, v1  }
0x3e: {  	[tilespmem:s18+$0x0] =	vst v3;
	v3 =	vadd.s32 s4, v2  }
0x3f: {  	s20 =	simm.s32 $0x0;
	s21 =	simm.s32 $0x4B00;
	[tilespmem:s19+$0x0] =	vst v3  }
0x40: {  	[tilespmem:s21], [sflag:$0x1] =	stream.indirect.gather [hbm4b:s1+s17], $0x1, s20, s17, $0xb8;
	[tilespmem:$0x12C00] =	vst v63  }
0x41: {  	s24 =	simm.s32 $0x6400  }
0x42: {  	[tilespmem:s24], [sflag:$0x2] =	stream.indirect.gather [hbm4b:s1+s17], $0x1, s17, s17, $0xb8;
	[tilespmem:$0x12C00] =	vst v63  }
0x43: {  	s28 =	simm.s32 $0x3200;
	s31 =	simm.s32 $0x7D00  }
0x44: {  	[tilespmem:s31], [sflag:$0x3] =	stream.indirect.gather [hbm4b:s1+s17], $0x1, s28, s17, $0xb8;
	[tilespmem:$0x12C00] =	vst v63  }
0x45: {  	_ =	swait.ge [sflag:s22], $0x1900  }
0x46: {  	[sflag:s22] =	ssyncset.done $0x0  }
0x47: {  	[sflag:s22] =	ssyncadd.s32 $0xFFFFE700  }
0x48: {  	_ =	swait.ge [sflag:s23], $0x1900  }
0x49: {  	[sflag:s23] =	ssyncset.done $0x0  }
0x4a: {  	s14 =	simm.s32 $0x0;
	[sflag:s23] =	ssyncadd.s32 $0xFFFFE700  }
0x4b: {  	v5 =	vld [tilespmem:s14+$0x4B30]  }
0x4c: {  	v7 =	vld [tilespmem:s14+$0x9630]  }
0x4d: {  	v8 =	vld [tilespmem:s14+$0x4B00]  }
0x4e: {  	v9 =	vld [tilespmem:s14+$0x9600]  }
0x4f: {  	v4 =	vld [tilespmem:s14+$0x4B10]  }
0x50: {  	v6 =	vld [tilespmem:s14+$0x9610]  }
0x51: {  	v3 =	vld [tilespmem:s14+$0x4B20];
	v10 =	vadd.f32 v7, v5  }
0x52: {  	s15 =	simm.s32 $0x40;
	v7 =	vld [tilespmem:s14+$0x9620]  }
0x53: {  	s16 =	simm.s32 $0x200;
	v5 =	vld [tilespmem:s15+$0x4B30];
	v8 =	vadd.f32 v9, v8;
	[tilespmem:s14+$0xE130] =	vst v10  }
.LBB2_4:
0x54: {  	p0 =	sne.s32 s16, $0x6300;
	v9 =	vld [tilespmem:s15+$0x9630]  }
0x55: {  	v10 =	vld [tilespmem:s15+$0x4B00];
	[tilespmem:s14+$0xE100] =	vst v8;
	v6 =	vadd.f32 v6, v4  }
0x56: {  	v8 =	vld [tilespmem:s15+$0x9600]  }
.Ltmp1:
0x57: {  	v4 =	vld [tilespmem:s15+$0x4B10];
	[tilespmem:s14+$0xE110] =	vst v6;
	v7 =	vadd.f32 v7, v3;
	(pc) =	sbr.rel @p0 .LBB2_4-.Ltmp1, $4  }
0x58: {  	v6 =	vld [tilespmem:s15+$0x9610]  }
0x59: {  	v3 =	vld [tilespmem:s15+$0x4B20];
	v9 =	vadd.f32 v9, v5;
	[tilespmem:s14+$0xE120] =	vst v7;
	s14 =	smov.u32 s15  }
0x5a: {  	s15 =	sshra.s32 s16, $0x2;
	v7 =	vld [tilespmem:s14+$0x9620]  }
0x5b: {  	s16 =	sadd.s32 $0x100, s16;
	v5 =	vld [tilespmem:s15+$0x4B30];
	v8 =	vadd.f32 v8, v10;
	[tilespmem:s14+$0xE130] =	vst v9  }
0x5c: {  	v9 =	vld [tilespmem:s15+$0x9630]  }
0x5d: {  	v10 =	vld [tilespmem:s15+$0x4B00];
	[tilespmem:s14+$0xE100] =	vst v8;
	v4 =	vadd.f32 v6, v4  }
0x5e: {  	v6 =	vld [tilespmem:s15+$0x9600]  }
0x5f: {  	v8 =	vld [tilespmem:s15+$0x4B10];
	[tilespmem:s14+$0xE110] =	vst v4;
	v3 =	vadd.f32 v7, v3  }
0x60: {  	v4 =	vld [tilespmem:s15+$0x9610]  }
0x61: {  	v7 =	vld [tilespmem:s15+$0x4B20];
	[tilespmem:s14+$0xE120] =	vst v3  }
0x62: {  	v3 =	vld [tilespmem:s15+$0x9620];
	_ =	sdelay $0x1  }
0x63: {  	v5 =	vadd.f32 v9, v5  }
0x64: {  	v6 =	vadd.f32 v6, v10  }
0x65: {  	[tilespmem:s15+$0xE130] =	vst v5;
	v4 =	vadd.f32 v4, v8  }
0x66: {  	[tilespmem:s15+$0xE100] =	vst v6;
	v3 =	vadd.f32 v3, v7  }
0x67: {  	[tilespmem:s15+$0xE110] =	vst v4  }
0x68: {  	s4 =	simm.s32 $0x0;
	s5 =	rddreg [dreg:$0x8];
	s6 =	simm.s32 $0xE100;
	[tilespmem:s15+$0xE120] =	vst v3  }
0x69: {  	[hbm4b:s5+s4] =	stream.linear.scatter [tilespmem:s6], [sflag:$0x7], $0x1900, $0x38;
	[tilespmem:$0x12C00] =	vst v63  }
0x6a: {  	_ =	swait.ge [sflag:s25], $0x1900  }
0x6b: {  	[sflag:s25] =	ssyncset.done $0x0  }
0x6c: {  	[sflag:s25] =	ssyncadd.s32 $0xFFFFE700  }
0x6d: {  	_ =	swait.ge [sflag:s26], $0x1900  }
0x6e: {  	[sflag:s26] =	ssyncset.done $0x0  }
0x6f: {  	s14 =	simm.s32 $0x0;
	[sflag:s26] =	ssyncadd.s32 $0xFFFFE700  }
0x70: {  	v5 =	vld [tilespmem:s14+$0x6430]  }
0x71: {  	v7 =	vld [tilespmem:s14+$0xAF30]  }
0x72: {  	v8 =	vld [tilespmem:s14+$0x6400]  }
0x73: {  	v9 =	vld [tilespmem:s14+$0xAF00]  }
0x74: {  	v4 =	vld [tilespmem:s14+$0x6410]  }
0x75: {  	v6 =	vld [tilespmem:s14+$0xAF10]  }
0x76: {  	v3 =	vld [tilespmem:s14+$0x6420];
	v10 =	vadd.f32 v7, v5  }
0x77: {  	s15 =	simm.s32 $0x40;
	v7 =	vld [tilespmem:s14+$0xAF20]  }
0x78: {  	s16 =	simm.s32 $0x200;
	v5 =	vld [tilespmem:s15+$0x6430];
	v8 =	vadd.f32 v9, v8;
	[tilespmem:s14+$0xFA30] =	vst v10  }
.LBB2_6:
0x79: {  	p0 =	sne.s32 s16, $0x6300;
	v9 =	vld [tilespmem:s15+$0xAF30]  }
0x7a: {  	v10 =	vld [tilespmem:s15+$0x6400];
	[tilespmem:s14+$0xFA00] =	vst v8;
	v6 =	vadd.f32 v6, v4  }
0x7b: {  	v8 =	vld [tilespmem:s15+$0xAF00]  }
.Ltmp2:
0x7c: {  	v4 =	vld [tilespmem:s15+$0x6410];
	[tilespmem:s14+$0xFA10] =	vst v6;
	v7 =	vadd.f32 v7, v3;
	(pc) =	sbr.rel @p0 .LBB2_6-.Ltmp2, $4  }
0x7d: {  	v6 =	vld [tilespmem:s15+$0xAF10]  }
0x7e: {  	v3 =	vld [tilespmem:s15+$0x6420];
	v9 =	vadd.f32 v9, v5;
	[tilespmem:s14+$0xFA20] =	vst v7;
	s14 =	smov.u32 s15  }
0x7f: {  	s15 =	sshra.s32 s16, $0x2;
	v7 =	vld [tilespmem:s14+$0xAF20]  }
0x80: {  	s16 =	sadd.s32 $0x100, s16;
	v5 =	vld [tilespmem:s15+$0x6430];
	v8 =	vadd.f32 v8, v10;
	[tilespmem:s14+$0xFA30] =	vst v9  }
0x81: {  	v9 =	vld [tilespmem:s15+$0xAF30]  }
0x82: {  	v10 =	vld [tilespmem:s15+$0x6400];
	[tilespmem:s14+$0xFA00] =	vst v8;
	v4 =	vadd.f32 v6, v4  }
0x83: {  	v6 =	vld [tilespmem:s15+$0xAF00]  }
0x84: {  	v8 =	vld [tilespmem:s15+$0x6410];
	[tilespmem:s14+$0xFA10] =	vst v4;
	v3 =	vadd.f32 v7, v3  }
0x85: {  	v4 =	vld [tilespmem:s15+$0xAF10]  }
0x86: {  	v7 =	vld [tilespmem:s15+$0x6420];
	[tilespmem:s14+$0xFA20] =	vst v3  }
0x87: {  	v3 =	vld [tilespmem:s15+$0xAF20];
	_ =	sdelay $0x1  }
0x88: {  	v5 =	vadd.f32 v9, v5  }
0x89: {  	v6 =	vadd.f32 v6, v10  }
0x8a: {  	[tilespmem:s15+$0xFA30] =	vst v5;
	v4 =	vadd.f32 v4, v8  }
0x8b: {  	[tilespmem:s15+$0xFA00] =	vst v6;
	v3 =	vadd.f32 v3, v7  }
0x8c: {  	[tilespmem:s15+$0xFA10] =	vst v4  }
0x8d: {  	s4 =	simm.s32 $0x0;
	s5 =	simm.s32 $0xFA00;
	[tilespmem:s15+$0xFA20] =	vst v3  }
0x8e: {  	[hbm4b:s9+s4] =	stream.linear.scatter [tilespmem:s5], [sflag:$0x7], $0x1900, $0x38;
	[tilespmem:$0x12C00] =	vst v63  }
0x8f: {  	_ =	swait.ge [sflag:s29], $0x1900  }
0x90: {  	[sflag:s29] =	ssyncset.done $0x0  }
0x91: {  	[sflag:s29] =	ssyncadd.s32 $0xFFFFE700  }
0x92: {  	_ =	swait.ge [sflag:s30], $0x1900  }
0x93: {  	[sflag:s30] =	ssyncset.done $0x0  }
0x94: {  	s14 =	simm.s32 $0x0;
	[sflag:s30] =	ssyncadd.s32 $0xFFFFE700  }
0x95: {  	v5 =	vld [tilespmem:s14+$0x7D30]  }
0x96: {  	v7 =	vld [tilespmem:s14+$0xC830]  }
0x97: {  	v8 =	vld [tilespmem:s14+$0x7D00]  }
0x98: {  	v9 =	vld [tilespmem:s14+$0xC800]  }
0x99: {  	v4 =	vld [tilespmem:s14+$0x7D10]  }
0x9a: {  	v6 =	vld [tilespmem:s14+$0xC810]  }
0x9b: {  	v3 =	vld [tilespmem:s14+$0x7D20];
	v10 =	vadd.f32 v7, v5  }
0x9c: {  	s15 =	simm.s32 $0x40;
	v7 =	vld [tilespmem:s14+$0xC820]  }
0x9d: {  	s16 =	simm.s32 $0x200;
	v5 =	vld [tilespmem:s15+$0x7D30];
	v8 =	vadd.f32 v9, v8;
	[tilespmem:s14+$0x11330] =	vst v10  }
.LBB2_8:
0x9e: {  	p0 =	sne.s32 s16, $0x6300;
	v9 =	vld [tilespmem:s15+$0xC830]  }
0x9f: {  	v10 =	vld [tilespmem:s15+$0x7D00];
	[tilespmem:s14+$0x11300] =	vst v8;
	v6 =	vadd.f32 v6, v4  }
0xa0: {  	v8 =	vld [tilespmem:s15+$0xC800]  }
.Ltmp3:
0xa1: {  	v4 =	vld [tilespmem:s15+$0x7D10];
	[tilespmem:s14+$0x11310] =	vst v6;
	v7 =	vadd.f32 v7, v3;
	(pc) =	sbr.rel @p0 .LBB2_8-.Ltmp3, $4  }
0xa2: {  	v6 =	vld [tilespmem:s15+$0xC810]  }
0xa3: {  	v3 =	vld [tilespmem:s15+$0x7D20];
	v9 =	vadd.f32 v9, v5;
	[tilespmem:s14+$0x11320] =	vst v7;
	s14 =	smov.u32 s15  }
0xa4: {  	s15 =	sshra.s32 s16, $0x2;
	v7 =	vld [tilespmem:s14+$0xC820]  }
0xa5: {  	s16 =	sadd.s32 $0x100, s16;
	v5 =	vld [tilespmem:s15+$0x7D30];
	v8 =	vadd.f32 v8, v10;
	[tilespmem:s14+$0x11330] =	vst v9  }
0xa6: {  	v9 =	vld [tilespmem:s15+$0xC830]  }
0xa7: {  	v10 =	vld [tilespmem:s15+$0x7D00];
	[tilespmem:s14+$0x11300] =	vst v8;
	v4 =	vadd.f32 v6, v4  }
0xa8: {  	v62 =	vld [tilespmem:s15+$0xC800]  }
0xa9: {  	v8 =	vld [tilespmem:s15+$0x7D10];
	[tilespmem:s14+$0x11310] =	vst v4;
	v3 =	vadd.f32 v7, v3  }
0xaa: {  	v4 =	vld [tilespmem:s15+$0xC810]  }
0xab: {  	v63 =	vld [tilespmem:s15+$0x7D20];
	[tilespmem:s14+$0x11320] =	vst v3  }
0xac: {  	v3 =	vld [tilespmem:s15+$0xC820];
	_ =	sdelay $0x1  }
0xad: {  	v5 =	vadd.f32 v9, v5  }
0xae: {  	v6 =	vadd.f32 v62, v10  }
0xaf: {  	[tilespmem:s15+$0x11330] =	vst v5;
	v4 =	vadd.f32 v4, v8  }
0xb0: {  	[tilespmem:s15+$0x11300] =	vst v6;
	v3 =	vadd.f32 v3, v63  }
0xb1: {  	[tilespmem:s15+$0x11310] =	vst v4  }
0xb2: {  	s4 =	simm.s32 $0x11300;
	[tilespmem:s15+$0x11320] =	vst v3  }
0xb3: {  	[hbm4b:s10+s3] =	stream.linear.scatter [tilespmem:s4], [sflag:$0x7], $0x1900, $0x38;
	[tilespmem:$0x12C00] =	vst v63  }
0xb4: {  	_ =	swait.ge [sflag:s2], $0x1900  }
0xb5: {  	[sflag:s2] =	ssyncset.done $0x0  }
0xb6: {  	s0 =	sadd.s32 $0x1, s0;
	[sflag:s2] =	ssyncadd.s32 $0xFFFFE700  }
0xb7: {  	p0 =	sne.s32 s0, s11;
	_ =	swait.ge [sflag:s2], $0x1900  }
.Ltmp4:
0xb8: {  	[sflag:s2] =	ssyncset.done $0x0;
	(pc) =	sbr.rel @p0 .LBB2_1-.Ltmp4, $4  }
0xb9: {  	[sflag:s2] =	ssyncadd.s32 $0xFFFFE700  }
0xba: {  	_ =	swait.ge [sflag:s2], $0x1900  }
0xbb: {  	[sflag:s2] =	ssyncset.done $0x0  }
0xbc: {  	[sflag:s2] =	ssyncadd.s32 $0xFFFFE700  }
0xbd: {  	_ =	sfence.sel $0x180000  }
0xbe: {  	[bflag:$0x0] =	sbarrier.arrive $0xFFFF  }
0xbf: {  	_ =	strace $0x90000047  }
0xc0: {  	s0 =	stileid.u32;
	[bflag:$0x2] =	sbarrier.arrive $0xFFFF  }
0xc1: {  	p0 =	sne.s32 s0, $0x0;
	s0 =	rddreg [dreg:$0x3]  }
0xc2: {  	s0 =	sadd.s32 @!p0 $0x100000, s0  }
0xc3: {  	[sflag:s0] =	ssyncadd.tile.s32 @!p0 $0x1;
	_ =	shalt  }
.Lfunc_end2:
_tile_overlayer_lowered:
.L_overlay_start_2:
0xc4: {  	(tag) =	ssettag $0x2  }
0xc5: {  	s0 =	rddreg [dreg:$0x0];
	s2 =	stileid.u32  }
0xc6: {  	s1 =	rddreg [dreg:$0x1];
	p0 =	sne.s32 s2, $0x0  }
0xc7: {  	s3 =	rddreg [dreg:$0x2];
	[bflag:$0x3] =	sbarrier.arrive $0xFFFF;
	s2 =	simm.s32 @!p0 $0x1C08  }
0xc8: {  	[timem:s3], [sflag:s2] =	dma.local @!p0 [hbm:s0], s1  }
0xc9: {  	s0 =	simm.s32 @!p0 $0x8  }
0xca: {  	_ =	swait.ge @!p0 [sflag:s0], s1  }
0xcb: {  	s1 =	ssub.s32 @!p0 $0x0, s1;
	[sflag:s0] =	ssyncset.done @!p0 $0x0  }
0xcc: {  	[sflag:s0] =	ssyncadd.s32 @!p0 s1  }
0xcd: {  	[bflag:$0x3] =	sbarrier.arrive $0xFFFF  }
0xce: {  	_ =	shalt  }

</sc_bundles>
